<compile_context>
chip_gen: v7x
topology: tpu7x:2x2x1
jax: 0.10.2.dev20260603
libtpu: 0.0.44.dev20260713+nightly
codegen_flags: <defaults>
</compile_context>

<pallas_src>
import functools

import jax
import jax.numpy as jnp
from jax import lax
from jax.experimental import pallas as pl
from jax.experimental.pallas import tpu as pltpu
from jax.experimental.pallas import tpu_sc as plsc

B = 4096
MARGIN = 0.5
L = 16
NC = 2
NS = 16
NW = NC * NS
SPLIT_ROWS = 2048
ROWS_PER_W = SPLIT_ROWS // NW
NCHUNK = B // L
TC_BLK = 512
INF = float("inf")

_mesh = plsc.VectorSubcoreMesh(core_axis_name="c", subcore_axis_name="s")


@functools.partial(
    pl.kernel,
    mesh=_mesh,
    out_type=[
        jax.ShapeDtypeStruct((NW, L), jnp.float32),
        jax.ShapeDtypeStruct((NW, L), jnp.float32),
    ],
    scratch_types=[
        pltpu.VMEM((B,), jnp.float32),
        pltpu.VMEM((B,), jnp.float32),
        pltpu.VMEM((B + L,), jnp.float32),
        pltpu.VMEM((B,), jnp.float32),
        pltpu.VMEM((B,), jnp.float32),
        pltpu.VMEM((L,), jnp.float32),
        pltpu.VMEM((L,), jnp.float32),
    ],
)
def _pairwise_sc(p_hbm, t_hbm, e_hbm, num_hbm, den_hbm,
                 pv, tv, ev, t0v, t1v, nv, dv):
    cid = lax.axis_index("c")
    sid = lax.axis_index("s")
    wid = sid * NC + cid

    pltpu.sync_copy(p_hbm, pv)
    pltpu.sync_copy(t_hbm, tv)
    pltpu.sync_copy(e_hbm, ev.at[pl.ds(0, B)])

    lanes = lax.iota(jnp.int32, L)
    zeros = jnp.zeros((L,), jnp.float32)
    ones = jnp.ones((L,), jnp.float32)
    infs = jnp.full((L,), INF, jnp.float32)

    @plsc.parallel_loop(0, NCHUNK, unroll=8)
    def prep_body(c):
        b2 = c * L
        t_c = tv[pl.ds(b2, L)]
        e_c = ev[pl.ds(b2, L)] > 0.0
        t0v[pl.ds(b2, L)] = jnp.where(e_c, t_c, infs)
        t1v[pl.ds(b2, L)] = jnp.where(e_c, infs, t_c)

    def contrib(p_i, t_i, e_i, p_j, t_j, e_j):
        lt = t_i < t_j
        gt = t_j < t_i
        d = p_i - p_j
        yd = jnp.where(lt, d, -d)
        h = jnp.maximum(MARGIN - yd, 0.0)
        m = jnp.where(lt, e_i, jnp.where(gt, e_j, e_i * e_j))
        return h * m, m

    nv[...] = zeros
    dv[...] = zeros

    def row_body(k, dummy):
        i = wid + NW * k
        cc = i // L
        off = i - cc * L
        base = cc * L
        p_c = pv[pl.ds(base, L)]
        t_c = tv[pl.ds(base, L)]
        e_c = ev[pl.ds(base, L)]
        lane = jnp.full((L,), off, dtype=jnp.int32)
        p_i = p_c.at[lane].get(mode="promise_in_bounds")
        t_i = t_c.at[lane].get(mode="promise_in_bounds")
        e_i = e_c.at[lane].get(mode="promise_in_bounds")
        mi = MARGIN - p_i
        ma = MARGIN + p_i
        hm, m = contrib(p_i, t_i, e_i, p_c, t_c, e_c)
        tri = lanes > off

        cx = ((cc + NCHUNK // 2) & (NCHUNK - 1)) * L
        hm_x, m_x = contrib(p_i, t_i, e_i,
                            pv[pl.ds(cx, L)], tv[pl.ds(cx, L)], ev[pl.ds(cx, L)])
        lim = off - jnp.where(i >= B // 2, 1, 0)
        keep_x = lanes <= lim

        ce = ((cc + NCHUNK // 2 - 1) & (NCHUNK - 1)) * L
        hm_e, m_e = contrib(p_i, t_i, e_i,
                            pv[pl.ds(ce, L)], tv[pl.ds(ce, L)], ev[pl.ds(ce, L)])

        nv[...] = (nv[...] + jnp.where(tri, hm, zeros)
                   + jnp.where(keep_x, hm_x, zeros) + hm_e)
        dv[...] = (dv[...] + jnp.where(tri, m, zeros)
                   + jnp.where(keep_x, m_x, zeros) + m_e)

        TRI = 42

        def rows_with_event(_):
            @plsc.parallel_loop(1, TRI + 1, unroll=6,
                                carry=(zeros, zeros, zeros, zeros, zeros, zeros))
            def loop1(c, carry2):
                na, da, nb, db, ng, dg = carry2
                bA = ((cc + c) & (NCHUNK - 1)) * L
                bB = ((cc + c + TRI) & (NCHUNK - 1)) * L
                bC = ((cc + c + 2 * TRI) & (NCHUNK - 1)) * L
                pA = pv[pl.ds(bA, L)]
                tA = tv[pl.ds(bA, L)]
                t1A = t1v[pl.ds(bA, L)]
                pB = pv[pl.ds(bB, L)]
                tB = tv[pl.ds(bB, L)]
                t1B = t1v[pl.ds(bB, L)]
                pC = pv[pl.ds(bC, L)]
                tC = tv[pl.ds(bC, L)]
                t1C = t1v[pl.ds(bC, L)]
                ltA = t_i < tA
                mA = t_i < t1A
                hA = jnp.maximum(jnp.where(ltA, mi + pA, ma - pA), 0.0)
                ltB = t_i < tB
                mB = t_i < t1B
                hB = jnp.maximum(jnp.where(ltB, mi + pB, ma - pB), 0.0)
                ltC = t_i < tC
                mC = t_i < t1C
                hC = jnp.maximum(jnp.where(ltC, mi + pC, ma - pC), 0.0)
                return (na + jnp.where(mA, hA, zeros),
                        da + jnp.where(mA, ones, zeros),
                        nb + jnp.where(mB, hB, zeros),
                        db + jnp.where(mB, ones, zeros),
                        ng + jnp.where(mC, hC, zeros),
                        dg + jnp.where(mC, ones, zeros))

            na, da, nb, db, ng, dg = loop1
            nv[...] = nv[...] + na + nb + ng
            dv[...] = dv[...] + da + db + dg

        def rows_without_event(_):
            @plsc.parallel_loop(1, TRI + 1, unroll=6,
                                carry=(zeros, zeros, zeros, zeros, zeros, zeros))
            def loop0(c, carry2):
                na, da, nb, db, ng, dg = carry2
                bA = ((cc + c) & (NCHUNK - 1)) * L
                bB = ((cc + c + TRI) & (NCHUNK - 1)) * L
                bC = ((cc + c + 2 * TRI) & (NCHUNK - 1)) * L
                pA = pv[pl.ds(bA, L)]
                t0A = t0v[pl.ds(bA, L)]
                pB = pv[pl.ds(bB, L)]
                t0B = t0v[pl.ds(bB, L)]
                pC = pv[pl.ds(bC, L)]
                t0C = t0v[pl.ds(bC, L)]
                mA = t0A < t_i
                hA = jnp.maximum(ma - pA, 0.0)
                mB = t0B < t_i
                hB = jnp.maximum(ma - pB, 0.0)
                mC = t0C < t_i
                hC = jnp.maximum(ma - pC, 0.0)
                return (na + jnp.where(mA, hA, zeros),
                        da + jnp.where(mA, ones, zeros),
                        nb + jnp.where(mB, hB, zeros),
                        db + jnp.where(mB, ones, zeros),
                        ng + jnp.where(mC, hC, zeros),
                        dg + jnp.where(mC, ones, zeros))

            na, da, nb, db, ng, dg = loop0
            nv[...] = nv[...] + na + nb + ng
            dv[...] = dv[...] + da + db + dg

        has_event = ev[pl.ds(i, L)][0] > 0.0
        lax.cond(has_event, rows_with_event, rows_without_event, 0)
        return dummy

    lax.fori_loop(0, ROWS_PER_W, row_body, 0)
    pltpu.sync_copy(nv, num_hbm.at[wid])
    pltpu.sync_copy(dv, den_hbm.at[wid])


NPIECE = B // 2 // TC_BLK + 1


def _tc_band(*refs):
    ps = refs[0:NPIECE]
    ts = refs[NPIECE:2 * NPIECE]
    es = refs[2 * NPIECE:3 * NPIECE]
    pcol, tcol, ecol, num_ref, den_ref = refs[3 * NPIECE:]
    k = pl.program_id(0)
    base = SPLIT_ROWS + k * TC_BLK
    p_i = pcol[...]
    t_i = tcol[...]
    e_i = ecol[...]
    mi = MARGIN - p_i
    ma = MARGIN + p_i
    ei_pos = e_i > 0.0
    r = lax.broadcasted_iota(jnp.int32, (TC_BLK, 1), 0)
    lim = r + B // 2 - jnp.where(base + r >= B // 2, 1, 0)
    num_s = jnp.zeros((), jnp.float32)
    den_s = jnp.zeros((), jnp.float32)
    for c in range(NPIECE):
        pj = ps[c][...]
        tj = ts[c][...]
        ej = es[c][...]
        ebj = ej > 0.0
        t0s = jnp.where(ebj, tj, INF)
        t1s = jnp.where(ebj, INF, tj)
        s = c * TC_BLK + lax.broadcasted_iota(jnp.int32, (1, TC_BLK), 1)
        keep = (s > r) & (s <= lim)
        lt = t_i < tj
        m = ((ei_pos & (t_i < t1s)) | (~ei_pos & (t0s < t_i))) & keep
        h = jnp.maximum(jnp.where(lt, mi + pj, ma - pj), 0.0)
        num_s += jnp.sum(jnp.where(m, h, 0.0))
        den_s += jnp.sum(jnp.where(m, 1.0, 0.0))

    @pl.when(k == 0)
    def _():
        num_ref[0, 0] = 0.0
        den_ref[0, 0] = 0.0

    num_ref[0, 0] += num_s
    den_ref[0, 0] += den_s


def _final_reduce(num_ref, den_ref, ntc_ref, dtc_ref, out_ref):
    s = ((jnp.sum(num_ref[...]) + ntc_ref[0, 0])
         / (jnp.sum(den_ref[...]) + dtc_ref[0, 0]))
    out_ref[...] = jnp.full((1, 1), s, jnp.float32)


def kernel(y_hat, efs_time, efs):
    y_hat = jnp.squeeze(y_hat).astype(jnp.float32)
    efs_time = efs_time.astype(jnp.float32)
    efs_f = efs.astype(jnp.float32)
    num, den = _pairwise_sc(y_hat, efs_time, efs_f)
    p2 = jnp.concatenate([y_hat, y_hat]).reshape(1, 2 * B)
    t2 = jnp.concatenate([efs_time, efs_time]).reshape(1, 2 * B)
    e2 = jnp.concatenate([efs_f, efs_f]).reshape(1, 2 * B)
    pcol = y_hat.reshape(B, 1)
    tcol = efs_time.reshape(B, 1)
    ecol = efs_f.reshape(B, 1)
    piece_specs = [
        pl.BlockSpec((1, TC_BLK), lambda k, c=c: (0, SPLIT_ROWS // TC_BLK + k + c))
        for c in range(NPIECE)
    ]
    col_spec = pl.BlockSpec((TC_BLK, 1), lambda k: (SPLIT_ROWS // TC_BLK + k, 0))
    ntc, dtc = pl.pallas_call(
        _tc_band,
        grid=((B - SPLIT_ROWS) // TC_BLK,),
        in_specs=(piece_specs * 3) + [col_spec, col_spec, col_spec],
        out_specs=[
            pl.BlockSpec(memory_space=pltpu.SMEM),
            pl.BlockSpec(memory_space=pltpu.SMEM),
        ],
        out_shape=[
            jax.ShapeDtypeStruct((1, 1), jnp.float32),
            jax.ShapeDtypeStruct((1, 1), jnp.float32),
        ],
    )(*([p2] * NPIECE), *([t2] * NPIECE), *([e2] * NPIECE), pcol, tcol, ecol)
    out = pl.pallas_call(
        _final_reduce,
        in_specs=[
            pl.BlockSpec(memory_space=pltpu.VMEM),
            pl.BlockSpec(memory_space=pltpu.VMEM),
            pl.BlockSpec(memory_space=pltpu.SMEM),
            pl.BlockSpec(memory_space=pltpu.SMEM),
        ],
        out_shape=jax.ShapeDtypeStruct((1, 1), jnp.float32),
    )(num, den, ntc, dtc)
    return out[0, 0]

# --- scband reference (transcript-rebuilt; emitter-appended) ---
"""Pipeline reference for scband-pairwise-hinge-loss-11373073400180 (READ-ONLY COPY).

The authoritative reference and input builder live on the scoring server;
editing this copy changes nothing except your own understanding.
"""

import jax, jax.numpy as jnp
import numpy as np

B = 4096
MARGIN = 0.5


def setup_inputs(seed: int = 0) -> dict:
    key = jax.random.key(seed)
    k1, k2, k3 = jax.random.split(key, 3)
    y_hat = jax.random.normal(k1, (B,), dtype=jnp.float32)
    efs_time = jax.random.uniform(k2, (B,), dtype=jnp.float32)
    efs = jax.random.randint(k3, (B,), 0, 2)
    return {"y_hat": y_hat, "efs_time": efs_time, "efs": efs}


def reference(y_hat, efs_time, efs):
    y_hat = jnp.squeeze(y_hat)
    n = y_hat.shape[0]
    # torch.combinations(arange(N), r=2) == upper-triangular (i<j) pairs
    i_idx, j_idx = jnp.triu_indices(n, k=1)
    efs_l = efs[i_idx]
    efs_r = efs[j_idx]
    # original code filters pairs where at least one event occurred;
    # equivalently fold that condition into the mask (same num/denom)
    keep = (efs_l == 1) | (efs_r == 1)
    pred_left = y_hat[i_idx]
    pred_right = y_hat[j_idx]
    y_left = efs_time[i_idx]
    y_right = efs_time[j_idx]
    y = 2.0 * (y_left < y_right).astype(jnp.float32) - 1.0
    loss = jax.nn.relu(-y * (pred_left - pred_right) + MARGIN)
    cond_1 = (efs_l == 1) & (efs_r == 0) & (y_left >= y_right)
    cond_2 = (efs_l == 0) & (efs_r == 1) & (y_left <= y_right)
    invalid = cond_1 | cond_2
    mask = keep & (~invalid)
    m = mask.astype(jnp.float32)
    return (loss * m).sum() / m.sum()

if __name__ == "__main__":
    import jax
    _d = setup_inputs()
    print(jax.jit(kernel)(*tuple(_d.values())))

</pallas_src>

<mosaic_0001>
#map = affine_map<(d0, d1) -> (0)>
#map1 = affine_map<(d0, d1) -> (0, 0)>
module attributes {stable_mosaic.version = 14 : i64} {
  func.func @_pairwise_sc(%arg0: i32, %arg1: i32, %arg2: memref<4096xf32, #tpu.memory_space<hbm>>, %arg3: memref<4096xf32, #tpu.memory_space<hbm>>, %arg4: memref<4096xf32, #tpu.memory_space<hbm>>, %arg5: memref<32x16xf32, #tpu.memory_space<hbm>>, %arg6: memref<32x16xf32, #tpu.memory_space<hbm>>, %arg7: memref<4096xf32, #tpu.memory_space<vmem>>, %arg8: memref<4096xf32, #tpu.memory_space<vmem>>, %arg9: memref<4112xf32, #tpu.memory_space<vmem>>, %arg10: memref<4096xf32, #tpu.memory_space<vmem>>, %arg11: memref<4096xf32, #tpu.memory_space<vmem>>, %arg12: memref<16xf32, #tpu.memory_space<vmem>>, %arg13: memref<16xf32, #tpu.memory_space<vmem>>) attributes {dimension_semantics = [#tpu.dimension_semantics<core_parallel>, #tpu.dimension_semantics<subcore_parallel>], iteration_bounds = array<i64: 2, 16>, scalar_prefetch = 0 : i64, scratch_operands = 7 : i64, tpu.core_type = #tpu.core_type<sc_vector_subcore>, window_params = [{transform_indices = #map}, {transform_indices = #map}, {transform_indices = #map}, {transform_indices = #map1}, {transform_indices = #map1}]} {
    %mul3A = arith.constant 2 : i32
    %mul3A_0 = arith.muli %arg1, %mul3A : i32
    %add3A = arith.addi %mul3A_0, %arg0 : i32
    "tpu.region"() ({
      %run_scoped3A = tpu.sem_alloc : memref<!tpu.dma_semaphore, #tpu.memory_space<semaphore_mem>>
      tpu.enqueue_dma source(%arg2 : memref<4096xf32, #tpu.memory_space<hbm>>) target(%arg7 : memref<4096xf32, #tpu.memory_space<vmem>>) target_semaphore(%run_scoped3A : memref<!tpu.dma_semaphore, #tpu.memory_space<semaphore_mem>>)
      tpu.wait_dma2 semaphore(%run_scoped3A : memref<!tpu.dma_semaphore, #tpu.memory_space<semaphore_mem>>) src(%arg2 : memref<4096xf32, #tpu.memory_space<hbm>>) dst(%arg7 : memref<4096xf32, #tpu.memory_space<vmem>>)
      tpu.yield
    }) : () -> ()
    "tpu.region"() ({
      %run_scoped3A = tpu.sem_alloc : memref<!tpu.dma_semaphore, #tpu.memory_space<semaphore_mem>>
      tpu.enqueue_dma source(%arg3 : memref<4096xf32, #tpu.memory_space<hbm>>) target(%arg8 : memref<4096xf32, #tpu.memory_space<vmem>>) target_semaphore(%run_scoped3A : memref<!tpu.dma_semaphore, #tpu.memory_space<semaphore_mem>>)
      tpu.wait_dma2 semaphore(%run_scoped3A : memref<!tpu.dma_semaphore, #tpu.memory_space<semaphore_mem>>) src(%arg3 : memref<4096xf32, #tpu.memory_space<hbm>>) dst(%arg8 : memref<4096xf32, #tpu.memory_space<vmem>>)
      tpu.yield
    }) : () -> ()
    "tpu.region"() ({
      %run_scoped3A = tpu.sem_alloc : memref<!tpu.dma_semaphore, #tpu.memory_space<semaphore_mem>>
      %dma_start3A = arith.constant 0 : i32
      %dma_start3A_20 = tpu.memref_slice %arg9[%dma_start3A] : memref<4112xf32, #tpu.memory_space<vmem>> -> memref<4096xf32, #tpu.memory_space<vmem>>
      %dma_start3A_21 = arith.constant 0 : i32
      %dma_start3A_22 = tpu.memref_slice %arg9[%dma_start3A_21] : memref<4112xf32, #tpu.memory_space<vmem>> -> memref<4096xf32, #tpu.memory_space<vmem>>
      tpu.enqueue_dma source(%arg4 : memref<4096xf32, #tpu.memory_space<hbm>>) target(%dma_start3A_22 : memref<4096xf32, #tpu.memory_space<vmem>>) target_semaphore(%run_scoped3A : memref<!tpu.dma_semaphore, #tpu.memory_space<semaphore_mem>>)
      %dma_wait3A = arith.constant 0 : i32
      %dma_wait3A_23 = tpu.memref_slice %arg9[%dma_wait3A] : memref<4112xf32, #tpu.memory_space<vmem>> -> memref<4096xf32, #tpu.memory_space<vmem>>
      %dma_wait3A_24 = arith.constant 0 : i32
      %dma_wait3A_25 = tpu.memref_slice %arg9[%dma_wait3A_24] : memref<4112xf32, #tpu.memory_space<vmem>> -> memref<4096xf32, #tpu.memory_space<vmem>>
      tpu.wait_dma2 semaphore(%run_scoped3A : memref<!tpu.dma_semaphore, #tpu.memory_space<semaphore_mem>>) src(%arg4 : memref<4096xf32, #tpu.memory_space<hbm>>) dst(%dma_wait3A_25 : memref<4096xf32, #tpu.memory_space<vmem>>)
      tpu.yield
    }) : () -> ()
    %iota3A = tpu.iota {dimensions = array<i32: 0>} : vector<16xi32>
    %broadcast_in_dim3A = arith.constant 0.000000e+00 : f32
    %broadcast_in_dim3A_1 = vector.broadcast %broadcast_in_dim3A : f32 to vector<16xf32>
    %broadcast_in_dim3A_2 = arith.constant 1.000000e+00 : f32
    %broadcast_in_dim3A_3 = vector.broadcast %broadcast_in_dim3A_2 : f32 to vector<16xf32>
    %broadcast_in_dim3A_4 = arith.constant 0x7F800000 : f32
    %broadcast_in_dim3A_5 = vector.broadcast %broadcast_in_dim3A_4 : f32 to vector<16xf32>
    %parallel_loop3A = arith.constant 0 : i32
    %parallel_loop3A_6 = arith.constant 256 : i32
    %parallel_loop3A_7 = arith.constant 1 : i32
    scf.for %parallel_loop3A_20 = %parallel_loop3A to %parallel_loop3A_6 step %parallel_loop3A_7  : i32 {
      %parallel_loop3A_21 = arith.constant 16 : i32
      %parallel_loop3A_22 = arith.muli %parallel_loop3A_20, %parallel_loop3A_21 : i32
      %parallel_loop3A_23 = arith.index_cast %parallel_loop3A_22 : i32 to index
      %parallel_loop3A_24 = tpu.vector_load %arg8[%parallel_loop3A_23] {strides = array<i32>} : memref<4096xf32, #tpu.memory_space<vmem>>, vector<16xf32>,
      %parallel_loop3A_25 = vector.shape_cast %parallel_loop3A_24 : vector<16xf32> to vector<16xf32>
      %parallel_loop3A_26 = arith.index_cast %parallel_loop3A_22 : i32 to index
      %parallel_loop3A_27 = tpu.vector_load %arg9[%parallel_loop3A_26] {strides = array<i32>} : memref<4112xf32, #tpu.memory_space<vmem>>, vector<16xf32>,
      %parallel_loop3A_28 = vector.shape_cast %parallel_loop3A_27 : vector<16xf32> to vector<16xf32>
      %parallel_loop3A_29 = arith.constant 0.000000e+00 : f32
      %parallel_loop3A_30 = vector.broadcast %parallel_loop3A_29 : f32 to vector<16xf32>
      %parallel_loop3A_31 = arith.cmpf ogt, %parallel_loop3A_28, %parallel_loop3A_30 : vector<16xf32>
      %parallel_loop3A_32 = arith.select %parallel_loop3A_31, %parallel_loop3A_25, %broadcast_in_dim3A_5 : vector<16xi1>, vector<16xf32>
      %parallel_loop3A_33 = arith.index_cast %parallel_loop3A_22 : i32 to index
      %parallel_loop3A_34 = tpu.vector_load %arg10[%parallel_loop3A_33] {strides = array<i32>} : memref<4096xf32, #tpu.memory_space<vmem>>, vector<16xf32>,
      %parallel_loop3A_35 = vector.shape_cast %parallel_loop3A_34 : vector<16xf32> to vector<16xf32>
      %parallel_loop3A_36 = vector.shape_cast %parallel_loop3A_32 : vector<16xf32> to vector<16xf32>
      tpu.vector_store %arg10[%parallel_loop3A_33], %parallel_loop3A_36 {strides = array<i32>} : memref<4096xf32, #tpu.memory_space<vmem>>, vector<16xf32>,
      %parallel_loop3A_37 = arith.select %parallel_loop3A_31, %broadcast_in_dim3A_5, %parallel_loop3A_25 : vector<16xi1>, vector<16xf32>
      %parallel_loop3A_38 = arith.index_cast %parallel_loop3A_22 : i32 to index
      %parallel_loop3A_39 = tpu.vector_load %arg11[%parallel_loop3A_38] {strides = array<i32>} : memref<4096xf32, #tpu.memory_space<vmem>>, vector<16xf32>,
      %parallel_loop3A_40 = vector.shape_cast %parallel_loop3A_39 : vector<16xf32> to vector<16xf32>
      %parallel_loop3A_41 = vector.shape_cast %parallel_loop3A_37 : vector<16xf32> to vector<16xf32>
      tpu.vector_store %arg11[%parallel_loop3A_38], %parallel_loop3A_41 {strides = array<i32>} : memref<4096xf32, #tpu.memory_space<vmem>>, vector<16xf32>,
    } {sc.loop_unroll_factor = 8 : i64, sc.parallel_access}
    %swap3A = arith.constant 0 : index
    %swap3A_8 = tpu.vector_load %arg12[%swap3A] {strides = array<i32>} : memref<16xf32, #tpu.memory_space<vmem>>, vector<16xf32>,
    %swap3A_9 = vector.shape_cast %swap3A_8 : vector<16xf32> to vector<16xf32>
    %swap3A_10 = vector.shape_cast %broadcast_in_dim3A_1 : vector<16xf32> to vector<16xf32>
    tpu.vector_store %arg12[%swap3A], %swap3A_10 {strides = array<i32>} : memref<16xf32, #tpu.memory_space<vmem>>, vector<16xf32>,
    %swap3A_11 = arith.constant 0 : index
    %swap3A_12 = tpu.vector_load %arg13[%swap3A_11] {strides = array<i32>} : memref<16xf32, #tpu.memory_space<vmem>>, vector<16xf32>,
    %swap3A_13 = vector.shape_cast %swap3A_12 : vector<16xf32> to vector<16xf32>
    %swap3A_14 = vector.shape_cast %broadcast_in_dim3A_1 : vector<16xf32> to vector<16xf32>
    tpu.vector_store %arg13[%swap3A_11], %swap3A_14 {strides = array<i32>} : memref<16xf32, #tpu.memory_space<vmem>>, vector<16xf32>,
    %scan3A = arith.constant 0 : i32
    %scan3A_15 = arith.constant 0 : i32
    %scan3A_16 = arith.constant 64 : i32
    %scan3A_17 = arith.addi %scan3A_15, %scan3A_16 : i32
    %scan3A_18 = arith.constant 1 : i32
    scf.for %scan3A_20 = %scan3A_15 to %scan3A_17 step %scan3A_18  : i32 {
      %mul3A_21 = arith.constant 32 : i32
      %mul3A_22 = arith.muli %mul3A_21, %scan3A_20 : i32
      %add3A_23 = arith.addi %add3A, %mul3A_22 : i32
      %jit3A = arith.constant 16 : i32
      %div3A = arith.divsi %add3A_23, %jit3A : i32
      %sign3A = arith.constant 0 : i32
      %sign3A_24 = arith.cmpi sgt, %add3A_23, %sign3A : i32
      %sign3A_25 = arith.extui %sign3A_24 : i1 to i32
      %sign3A_26 = arith.constant 0 : i32
      %sign3A_27 = arith.cmpi slt, %add3A_23, %sign3A_26 : i32
      %sign3A_28 = arith.extui %sign3A_27 : i1 to i32
      %sign3A_29 = arith.subi %sign3A_25, %sign3A_28 : i32
      %sign3A_30 = arith.constant 0 : i32
      %sign3A_31 = arith.cmpi sgt, %jit3A, %sign3A_30 : i32
      %sign3A_32 = arith.extui %sign3A_31 : i1 to i32
      %sign3A_33 = arith.constant 0 : i32
      %sign3A_34 = arith.cmpi slt, %jit3A, %sign3A_33 : i32
      %sign3A_35 = arith.extui %sign3A_34 : i1 to i32
      %sign3A_36 = arith.subi %sign3A_32, %sign3A_35 : i32
      %ne3A = arith.cmpi ne, %sign3A_29, %sign3A_36 : i32
      %rem3A = arith.remsi %add3A_23, %jit3A : i32
      %ne3A_37 = arith.constant 0 : i32
      %ne3A_38 = arith.cmpi ne, %rem3A, %ne3A_37 : i32
      %and3A = arith.andi %ne3A, %ne3A_38 : i1
      %sub3A = arith.constant 1 : i32
      %sub3A_39 = arith.subi %div3A, %sub3A : i32
      %select_n3A = arith.select %and3A, %sub3A_39, %div3A : i32
      %mul3A_40 = arith.constant 16 : i32
      %mul3A_41 = arith.muli %select_n3A, %mul3A_40 : i32
      %sub3A_42 = arith.subi %add3A_23, %mul3A_41 : i32
      %mul3A_43 = arith.constant 16 : i32
      %mul3A_44 = arith.muli %select_n3A, %mul3A_43 : i32
      %get3A = arith.index_cast %mul3A_44 : i32 to index
      %get3A_45 = tpu.vector_load %arg7[%get3A] {strides = array<i32>} : memref<4096xf32, #tpu.memory_space<vmem>>, vector<16xf32>,
      %get3A_46 = vector.shape_cast %get3A_45 : vector<16xf32> to vector<16xf32>
      %get3A_47 = arith.index_cast %mul3A_44 : i32 to index
      %get3A_48 = tpu.vector_load %arg8[%get3A_47] {strides = array<i32>} : memref<4096xf32, #tpu.memory_space<vmem>>, vector<16xf32>,
      %get3A_49 = vector.shape_cast %get3A_48 : vector<16xf32> to vector<16xf32>
      %get3A_50 = arith.index_cast %mul3A_44 : i32 to index
      %get3A_51 = tpu.vector_load %arg9[%get3A_50] {strides = array<i32>} : memref<4112xf32, #tpu.memory_space<vmem>>, vector<16xf32>,
      %get3A_52 = vector.shape_cast %get3A_51 : vector<16xf32> to vector<16xf32>
      %broadcast_in_dim3A_53 = vector.broadcast %sub3A_42 : i32 to vector<16xi32>
      %lt3A = arith.constant 0 : i32
      %lt3A_54 = vector.broadcast %lt3A : i32 to vector<16xi32>
      %lt3A_55 = arith.cmpi slt, %broadcast_in_dim3A_53, %lt3A_54 : vector<16xi32>
      %add3A_56 = arith.constant 16 : i32
      %add3A_57 = vector.broadcast %add3A_56 : i32 to vector<16xi32>
      %add3A_58 = arith.addi %broadcast_in_dim3A_53, %add3A_57 : vector<16xi32>
      %select_n3A_59 = arith.select %lt3A_55, %add3A_58, %broadcast_in_dim3A_53 : vector<16xi1>, vector<16xi32>
      %broadcast_in_dim3A_60 = vector.shape_cast %select_n3A_59 : vector<16xi32> to vector<16x1xi32>
      %gather3A = vector.shape_cast %broadcast_in_dim3A_60 : vector<16x1xi32> to vector<16xi32>
      %gather3A_61 = tpu.dynamic_gather %get3A_46[%gather3A] in [0] : vector<16xf32>, vector<16xi32> -> vector<16xf32>
      %lt3A_62 = arith.constant 0 : i32
      %lt3A_63 = vector.broadcast %lt3A_62 : i32 to vector<16xi32>
      %lt3A_64 = arith.cmpi slt, %broadcast_in_dim3A_53, %lt3A_63 : vector<16xi32>
      %add3A_65 = arith.constant 16 : i32
      %add3A_66 = vector.broadcast %add3A_65 : i32 to vector<16xi32>
      %add3A_67 = arith.addi %broadcast_in_dim3A_53, %add3A_66 : vector<16xi32>
      %select_n3A_68 = arith.select %lt3A_64, %add3A_67, %broadcast_in_dim3A_53 : vector<16xi1>, vector<16xi32>
      %broadcast_in_dim3A_69 = vector.shape_cast %select_n3A_68 : vector<16xi32> to vector<16x1xi32>
      %gather3A_70 = vector.shape_cast %broadcast_in_dim3A_69 : vector<16x1xi32> to vector<16xi32>
      %gather3A_71 = tpu.dynamic_gather %get3A_49[%gather3A_70] in [0] : vector<16xf32>, vector<16xi32> -> vector<16xf32>
      %lt3A_72 = arith.constant 0 : i32
      %lt3A_73 = vector.broadcast %lt3A_72 : i32 to vector<16xi32>
      %lt3A_74 = arith.cmpi slt, %broadcast_in_dim3A_53, %lt3A_73 : vector<16xi32>
      %add3A_75 = arith.constant 16 : i32
      %add3A_76 = vector.broadcast %add3A_75 : i32 to vector<16xi32>
      %add3A_77 = arith.addi %broadcast_in_dim3A_53, %add3A_76 : vector<16xi32>
      %select_n3A_78 = arith.select %lt3A_74, %add3A_77, %broadcast_in_dim3A_53 : vector<16xi1>, vector<16xi32>
      %broadcast_in_dim3A_79 = vector.shape_cast %select_n3A_78 : vector<16xi32> to vector<16x1xi32>
      %gather3A_80 = vector.shape_cast %broadcast_in_dim3A_79 : vector<16x1xi32> to vector<16xi32>
      %gather3A_81 = tpu.dynamic_gather %get3A_52[%gather3A_80] in [0] : vector<16xf32>, vector<16xi32> -> vector<16xf32>
      %sub3A_82 = arith.constant 5.000000e-01 : f32
      %sub3A_83 = vector.broadcast %sub3A_82 : f32 to vector<16xf32>
      %sub3A_84 = arith.subf %sub3A_83, %gather3A_61 : vector<16xf32>
      %add3A_85 = arith.constant 5.000000e-01 : f32
      %add3A_86 = vector.broadcast %add3A_85 : f32 to vector<16xf32>
      %add3A_87 = arith.addf %add3A_86, %gather3A_61 : vector<16xf32>
      %lt3A_88 = arith.cmpf olt, %gather3A_71, %get3A_49 : vector<16xf32>
      %lt3A_89 = arith.cmpf olt, %get3A_49, %gather3A_71 : vector<16xf32>
      %sub3A_90 = arith.subf %gather3A_61, %get3A_46 : vector<16xf32>
      %neg3A = arith.constant 0.000000e+00 : f32
      %neg3A_91 = vector.broadcast %neg3A : f32 to vector<16xf32>
      %neg3A_92 = arith.subf %neg3A_91, %sub3A_90 : vector<16xf32>
      %select_n3A_93 = arith.select %lt3A_88, %sub3A_90, %neg3A_92 : vector<16xi1>, vector<16xf32>
      %sub3A_94 = arith.constant 5.000000e-01 : f32
      %sub3A_95 = vector.broadcast %sub3A_94 : f32 to vector<16xf32>
      %sub3A_96 = arith.subf %sub3A_95, %select_n3A_93 : vector<16xf32>
      %max3A = arith.constant 0.000000e+00 : f32
      %max3A_97 = vector.broadcast %max3A : f32 to vector<16xf32>
      %max3A_98 = arith.maximumf %sub3A_96, %max3A_97 : vector<16xf32>
      %mul3A_99 = arith.mulf %gather3A_81, %get3A_52 : vector<16xf32>
      %select_n3A_100 = arith.select %lt3A_89, %get3A_52, %mul3A_99 : vector<16xi1>, vector<16xf32>
      %select_n3A_101 = arith.select %lt3A_88, %gather3A_81, %select_n3A_100 : vector<16xi1>, vector<16xf32>
      %mul3A_102 = arith.mulf %max3A_98, %select_n3A_101 : vector<16xf32>
      %gt3A = vector.broadcast %sub3A_42 : i32 to vector<16xi32>
      %gt3A_103 = arith.cmpi sgt, %iota3A, %gt3A : vector<16xi32>
      %add3A_104 = arith.constant 128 : i32
      %add3A_105 = arith.addi %select_n3A, %add3A_104 : i32
      %and3A_106 = arith.constant 255 : i32
      %and3A_107 = arith.andi %add3A_105, %and3A_106 : i32
      %mul3A_108 = arith.constant 16 : i32
      %mul3A_109 = arith.muli %and3A_107, %mul3A_108 : i32
      %get3A_110 = arith.index_cast %mul3A_109 : i32 to index
      %get3A_111 = tpu.vector_load %arg7[%get3A_110] {strides = array<i32>} : memref<4096xf32, #tpu.memory_space<vmem>>, vector<16xf32>,
      %get3A_112 = vector.shape_cast %get3A_111 : vector<16xf32> to vector<16xf32>
      %get3A_113 = arith.index_cast %mul3A_109 : i32 to index
      %get3A_114 = tpu.vector_load %arg8[%get3A_113] {strides = array<i32>} : memref<4096xf32, #tpu.memory_space<vmem>>, vector<16xf32>,
      %get3A_115 = vector.shape_cast %get3A_114 : vector<16xf32> to vector<16xf32>
      %get3A_116 = arith.index_cast %mul3A_109 : i32 to index
      %get3A_117 = tpu.vector_load %arg9[%get3A_116] {strides = array<i32>} : memref<4112xf32, #tpu.memory_space<vmem>>, vector<16xf32>,
      %get3A_118 = vector.shape_cast %get3A_117 : vector<16xf32> to vector<16xf32>
      %lt3A_119 = arith.cmpf olt, %gather3A_71, %get3A_115 : vector<16xf32>
      %lt3A_120 = arith.cmpf olt, %get3A_115, %gather3A_71 : vector<16xf32>
      %sub3A_121 = arith.subf %gather3A_61, %get3A_112 : vector<16xf32>
      %neg3A_122 = arith.constant 0.000000e+00 : f32
      %neg3A_123 = vector.broadcast %neg3A_122 : f32 to vector<16xf32>
      %neg3A_124 = arith.subf %neg3A_123, %sub3A_121 : vector<16xf32>
      %select_n3A_125 = arith.select %lt3A_119, %sub3A_121, %neg3A_124 : vector<16xi1>, vector<16xf32>
      %sub3A_126 = arith.constant 5.000000e-01 : f32
      %sub3A_127 = vector.broadcast %sub3A_126 : f32 to vector<16xf32>
      %sub3A_128 = arith.subf %sub3A_127, %select_n3A_125 : vector<16xf32>
      %max3A_129 = arith.constant 0.000000e+00 : f32
      %max3A_130 = vector.broadcast %max3A_129 : f32 to vector<16xf32>
      %max3A_131 = arith.maximumf %sub3A_128, %max3A_130 : vector<16xf32>
      %mul3A_132 = arith.mulf %gather3A_81, %get3A_118 : vector<16xf32>
      %select_n3A_133 = arith.select %lt3A_120, %get3A_118, %mul3A_132 : vector<16xi1>, vector<16xf32>
      %select_n3A_134 = arith.select %lt3A_119, %gather3A_81, %select_n3A_133 : vector<16xi1>, vector<16xf32>
      %mul3A_135 = arith.mulf %max3A_131, %select_n3A_134 : vector<16xf32>
      %ge3A = arith.constant 2048 : i32
      %ge3A_136 = arith.cmpi sge, %add3A_23, %ge3A : i32
      %jit3A_137 = arith.constant 1 : i32
      %jit3A_138 = arith.constant 0 : i32
      %select_n3A_139 = arith.select %ge3A_136, %jit3A_137, %jit3A_138 : i32
      %sub3A_140 = arith.subi %sub3A_42, %select_n3A_139 : i32
      %le3A = vector.broadcast %sub3A_140 : i32 to vector<16xi32>
      %le3A_141 = arith.cmpi sle, %iota3A, %le3A : vector<16xi32>
      %add3A_142 = arith.constant 128 : i32
      %add3A_143 = arith.addi %select_n3A, %add3A_142 : i32
      %sub3A_144 = arith.constant 1 : i32
      %sub3A_145 = arith.subi %add3A_143, %sub3A_144 : i32
      %and3A_146 = arith.constant 255 : i32
      %and3A_147 = arith.andi %sub3A_145, %and3A_146 : i32
      %mul3A_148 = arith.constant 16 : i32
      %mul3A_149 = arith.muli %and3A_147, %mul3A_148 : i32
      %get3A_150 = arith.index_cast %mul3A_149 : i32 to index
      %get3A_151 = tpu.vector_load %arg7[%get3A_150] {strides = array<i32>} : memref<4096xf32, #tpu.memory_space<vmem>>, vector<16xf32>,
      %get3A_152 = vector.shape_cast %get3A_151 : vector<16xf32> to vector<16xf32>
      %get3A_153 = arith.index_cast %mul3A_149 : i32 to index
      %get3A_154 = tpu.vector_load %arg8[%get3A_153] {strides = array<i32>} : memref<4096xf32, #tpu.memory_space<vmem>>, vector<16xf32>,
      %get3A_155 = vector.shape_cast %get3A_154 : vector<16xf32> to vector<16xf32>
      %get3A_156 = arith.index_cast %mul3A_149 : i32 to index
      %get3A_157 = tpu.vector_load %arg9[%get3A_156] {strides = array<i32>} : memref<4112xf32, #tpu.memory_space<vmem>>, vector<16xf32>,
      %get3A_158 = vector.shape_cast %get3A_157 : vector<16xf32> to vector<16xf32>
      %lt3A_159 = arith.cmpf olt, %gather3A_71, %get3A_155 : vector<16xf32>
      %lt3A_160 = arith.cmpf olt, %get3A_155, %gather3A_71 : vector<16xf32>
      %sub3A_161 = arith.subf %gather3A_61, %get3A_152 : vector<16xf32>
      %neg3A_162 = arith.constant 0.000000e+00 : f32
      %neg3A_163 = vector.broadcast %neg3A_162 : f32 to vector<16xf32>
      %neg3A_164 = arith.subf %neg3A_163, %sub3A_161 : vector<16xf32>
      %select_n3A_165 = arith.select %lt3A_159, %sub3A_161, %neg3A_164 : vector<16xi1>, vector<16xf32>
      %sub3A_166 = arith.constant 5.000000e-01 : f32
      %sub3A_167 = vector.broadcast %sub3A_166 : f32 to vector<16xf32>
      %sub3A_168 = arith.subf %sub3A_167, %select_n3A_165 : vector<16xf32>
      %max3A_169 = arith.constant 0.000000e+00 : f32
      %max3A_170 = vector.broadcast %max3A_169 : f32 to vector<16xf32>
      %max3A_171 = arith.maximumf %sub3A_168, %max3A_170 : vector<16xf32>
      %mul3A_172 = arith.mulf %gather3A_81, %get3A_158 : vector<16xf32>
      %select_n3A_173 = arith.select %lt3A_160, %get3A_158, %mul3A_172 : vector<16xi1>, vector<16xf32>
      %select_n3A_174 = arith.select %lt3A_159, %gather3A_81, %select_n3A_173 : vector<16xi1>, vector<16xf32>
      %mul3A_175 = arith.mulf %max3A_171, %select_n3A_174 : vector<16xf32>
      %get3A_176 = arith.constant 0 : index
      %get3A_177 = tpu.vector_load %arg12[%get3A_176] {strides = array<i32>} : memref<16xf32, #tpu.memory_space<vmem>>, vector<16xf32>,
      %get3A_178 = vector.shape_cast %get3A_177 : vector<16xf32> to vector<16xf32>
      %select_n3A_179 = arith.select %gt3A_103, %mul3A_102, %broadcast_in_dim3A_1 : vector<16xi1>, vector<16xf32>
      %add3A_180 = arith.addf %get3A_178, %select_n3A_179 : vector<16xf32>
      %select_n3A_181 = arith.select %le3A_141, %mul3A_135, %broadcast_in_dim3A_1 : vector<16xi1>, vector<16xf32>
      %add3A_182 = arith.addf %add3A_180, %select_n3A_181 : vector<16xf32>
      %add3A_183 = arith.addf %add3A_182, %mul3A_175 : vector<16xf32>
      %swap3A_184 = arith.constant 0 : index
      %swap3A_185 = tpu.vector_load %arg12[%swap3A_184] {strides = array<i32>} : memref<16xf32, #tpu.memory_space<vmem>>, vector<16xf32>,
      %swap3A_186 = vector.shape_cast %swap3A_185 : vector<16xf32> to vector<16xf32>
      %swap3A_187 = vector.shape_cast %add3A_183 : vector<16xf32> to vector<16xf32>
      tpu.vector_store %arg12[%swap3A_184], %swap3A_187 {strides = array<i32>} : memref<16xf32, #tpu.memory_space<vmem>>, vector<16xf32>,
      %get3A_188 = arith.constant 0 : index
      %get3A_189 = tpu.vector_load %arg13[%get3A_188] {strides = array<i32>} : memref<16xf32, #tpu.memory_space<vmem>>, vector<16xf32>,
      %get3A_190 = vector.shape_cast %get3A_189 : vector<16xf32> to vector<16xf32>
      %select_n3A_191 = arith.select %gt3A_103, %select_n3A_101, %broadcast_in_dim3A_1 : vector<16xi1>, vector<16xf32>
      %add3A_192 = arith.addf %get3A_190, %select_n3A_191 : vector<16xf32>
      %select_n3A_193 = arith.select %le3A_141, %select_n3A_134, %broadcast_in_dim3A_1 : vector<16xi1>, vector<16xf32>
      %add3A_194 = arith.addf %add3A_192, %select_n3A_193 : vector<16xf32>
      %add3A_195 = arith.addf %add3A_194, %select_n3A_174 : vector<16xf32>
      %swap3A_196 = arith.constant 0 : index
      %swap3A_197 = tpu.vector_load %arg13[%swap3A_196] {strides = array<i32>} : memref<16xf32, #tpu.memory_space<vmem>>, vector<16xf32>,
      %swap3A_198 = vector.shape_cast %swap3A_197 : vector<16xf32> to vector<16xf32>
      %swap3A_199 = vector.shape_cast %add3A_195 : vector<16xf32> to vector<16xf32>
      tpu.vector_store %arg13[%swap3A_196], %swap3A_199 {strides = array<i32>} : memref<16xf32, #tpu.memory_space<vmem>>, vector<16xf32>,
      %get3A_200 = arith.index_cast %add3A_23 : i32 to index
      %get3A_201 = tpu.vector_load %arg9[%get3A_200] {strides = array<i32>} : memref<4112xf32, #tpu.memory_space<vmem>>, vector<16xf32>,
      %get3A_202 = vector.shape_cast %get3A_201 : vector<16xf32> to vector<16xf32>
      %slice3A = vector.extract_strided_slice %get3A_202 {offsets = [0], sizes = [1], strides = [1]} : vector<16xf32> to vector<1xf32>
      %squeeze3A = vector.extract %slice3A[0] : f32 from vector<1xf32>
      %gt3A_203 = arith.constant 0.000000e+00 : f32
      %gt3A_204 = arith.cmpf ogt, %squeeze3A, %gt3A_203 : f32
      %convert_element_type3A = arith.extui %gt3A_204 : i1 to i32
      %cond3A = arith.constant 0 : i32
      %cond3A_205 = arith.constant 0 : i32
      %cond3A_206 = arith.cmpi ne, %convert_element_type3A, %cond3A_205 : i32
      scf.if %cond3A_206 {
        %parallel_loop3A_207 = arith.constant 1 : i32
        %parallel_loop3A_208 = arith.constant 43 : i32
        %parallel_loop3A_209 = arith.constant 1 : i32
        %parallel_loop3A_210:6 = scf.for %parallel_loop3A_231 = %parallel_loop3A_207 to %parallel_loop3A_208 step %parallel_loop3A_209 iter_args(%parallel_loop3A_232 = %broadcast_in_dim3A_1, %parallel_loop3A_233 = %broadcast_in_dim3A_1, %parallel_loop3A_234 = %broadcast_in_dim3A_1, %parallel_loop3A_235 = %broadcast_in_dim3A_1, %parallel_loop3A_236 = %broadcast_in_dim3A_1, %parallel_loop3A_237 = %broadcast_in_dim3A_1) -> (vector<16xf32>, vector<16xf32>, vector<16xf32>, vector<16xf32>, vector<16xf32>, vector<16xf32>)  : i32 {
          %parallel_loop3A_238 = arith.addi %select_n3A, %parallel_loop3A_231 : i32
          %parallel_loop3A_239 = arith.constant 255 : i32
          %parallel_loop3A_240 = arith.andi %parallel_loop3A_238, %parallel_loop3A_239 : i32
          %parallel_loop3A_241 = arith.constant 16 : i32
          %parallel_loop3A_242 = arith.muli %parallel_loop3A_240, %parallel_loop3A_241 : i32
          %parallel_loop3A_243 = arith.addi %select_n3A, %parallel_loop3A_231 : i32
          %parallel_loop3A_244 = arith.constant 42 : i32
          %parallel_loop3A_245 = arith.addi %parallel_loop3A_243, %parallel_loop3A_244 : i32
          %parallel_loop3A_246 = arith.constant 255 : i32
          %parallel_loop3A_247 = arith.andi %parallel_loop3A_245, %parallel_loop3A_246 : i32
          %parallel_loop3A_248 = arith.constant 16 : i32
          %parallel_loop3A_249 = arith.muli %parallel_loop3A_247, %parallel_loop3A_248 : i32
          %parallel_loop3A_250 = arith.addi %select_n3A, %parallel_loop3A_231 : i32
          %parallel_loop3A_251 = arith.constant 84 : i32
          %parallel_loop3A_252 = arith.addi %parallel_loop3A_250, %parallel_loop3A_251 : i32
          %parallel_loop3A_253 = arith.constant 255 : i32
          %parallel_loop3A_254 = arith.andi %parallel_loop3A_252, %parallel_loop3A_253 : i32
          %parallel_loop3A_255 = arith.constant 16 : i32
          %parallel_loop3A_256 = arith.muli %parallel_loop3A_254, %parallel_loop3A_255 : i32
          %parallel_loop3A_257 = arith.index_cast %parallel_loop3A_242 : i32 to index
          %parallel_loop3A_258 = tpu.vector_load %arg7[%parallel_loop3A_257] {strides = array<i32>} : memref<4096xf32, #tpu.memory_space<vmem>>, vector<16xf32>,
          %parallel_loop3A_259 = vector.shape_cast %parallel_loop3A_258 : vector<16xf32> to vector<16xf32>
          %parallel_loop3A_260 = arith.index_cast %parallel_loop3A_242 : i32 to index
          %parallel_loop3A_261 = tpu.vector_load %arg8[%parallel_loop3A_260] {strides = array<i32>} : memref<4096xf32, #tpu.memory_space<vmem>>, vector<16xf32>,
          %parallel_loop3A_262 = vector.shape_cast %parallel_loop3A_261 : vector<16xf32> to vector<16xf32>
          %parallel_loop3A_263 = arith.index_cast %parallel_loop3A_242 : i32 to index
          %parallel_loop3A_264 = tpu.vector_load %arg11[%parallel_loop3A_263] {strides = array<i32>} : memref<4096xf32, #tpu.memory_space<vmem>>, vector<16xf32>,
          %parallel_loop3A_265 = vector.shape_cast %parallel_loop3A_264 : vector<16xf32> to vector<16xf32>
          %parallel_loop3A_266 = arith.index_cast %parallel_loop3A_249 : i32 to index
          %parallel_loop3A_267 = tpu.vector_load %arg7[%parallel_loop3A_266] {strides = array<i32>} : memref<4096xf32, #tpu.memory_space<vmem>>, vector<16xf32>,
          %parallel_loop3A_268 = vector.shape_cast %parallel_loop3A_267 : vector<16xf32> to vector<16xf32>
          %parallel_loop3A_269 = arith.index_cast %parallel_loop3A_249 : i32 to index
          %parallel_loop3A_270 = tpu.vector_load %arg8[%parallel_loop3A_269] {strides = array<i32>} : memref<4096xf32, #tpu.memory_space<vmem>>, vector<16xf32>,
          %parallel_loop3A_271 = vector.shape_cast %parallel_loop3A_270 : vector<16xf32> to vector<16xf32>
          %parallel_loop3A_272 = arith.index_cast %parallel_loop3A_249 : i32 to index
          %parallel_loop3A_273 = tpu.vector_load %arg11[%parallel_loop3A_272] {strides = array<i32>} : memref<4096xf32, #tpu.memory_space<vmem>>, vector<16xf32>,
          %parallel_loop3A_274 = vector.shape_cast %parallel_loop3A_273 : vector<16xf32> to vector<16xf32>
          %parallel_loop3A_275 = arith.index_cast %parallel_loop3A_256 : i32 to index
          %parallel_loop3A_276 = tpu.vector_load %arg7[%parallel_loop3A_275] {strides = array<i32>} : memref<4096xf32, #tpu.memory_space<vmem>>, vector<16xf32>,
          %parallel_loop3A_277 = vector.shape_cast %parallel_loop3A_276 : vector<16xf32> to vector<16xf32>
          %parallel_loop3A_278 = arith.index_cast %parallel_loop3A_256 : i32 to index
          %parallel_loop3A_279 = tpu.vector_load %arg8[%parallel_loop3A_278] {strides = array<i32>} : memref<4096xf32, #tpu.memory_space<vmem>>, vector<16xf32>,
          %parallel_loop3A_280 = vector.shape_cast %parallel_loop3A_279 : vector<16xf32> to vector<16xf32>
          %parallel_loop3A_281 = arith.index_cast %parallel_loop3A_256 : i32 to index
          %parallel_loop3A_282 = tpu.vector_load %arg11[%parallel_loop3A_281] {strides = array<i32>} : memref<4096xf32, #tpu.memory_space<vmem>>, vector<16xf32>,
          %parallel_loop3A_283 = vector.shape_cast %parallel_loop3A_282 : vector<16xf32> to vector<16xf32>
          %parallel_loop3A_284 = arith.cmpf olt, %gather3A_71, %parallel_loop3A_262 : vector<16xf32>
          %parallel_loop3A_285 = arith.cmpf olt, %gather3A_71, %parallel_loop3A_265 : vector<16xf32>
          %parallel_loop3A_286 = arith.addf %sub3A_84, %parallel_loop3A_259 : vector<16xf32>
          %parallel_loop3A_287 = arith.subf %add3A_87, %parallel_loop3A_259 : vector<16xf32>
          %parallel_loop3A_288 = arith.select %parallel_loop3A_284, %parallel_loop3A_286, %parallel_loop3A_287 : vector<16xi1>, vector<16xf32>
          %parallel_loop3A_289 = arith.constant 0.000000e+00 : f32
          %parallel_loop3A_290 = vector.broadcast %parallel_loop3A_289 : f32 to vector<16xf32>
          %parallel_loop3A_291 = arith.maximumf %parallel_loop3A_288, %parallel_loop3A_290 : vector<16xf32>
          %parallel_loop3A_292 = arith.cmpf olt, %gather3A_71, %parallel_loop3A_271 : vector<16xf32>
          %parallel_loop3A_293 = arith.cmpf olt, %gather3A_71, %parallel_loop3A_274 : vector<16xf32>
          %parallel_loop3A_294 = arith.addf %sub3A_84, %parallel_loop3A_268 : vector<16xf32>
          %parallel_loop3A_295 = arith.subf %add3A_87, %parallel_loop3A_268 : vector<16xf32>
          %parallel_loop3A_296 = arith.select %parallel_loop3A_292, %parallel_loop3A_294, %parallel_loop3A_295 : vector<16xi1>, vector<16xf32>
          %parallel_loop3A_297 = arith.constant 0.000000e+00 : f32
          %parallel_loop3A_298 = vector.broadcast %parallel_loop3A_297 : f32 to vector<16xf32>
          %parallel_loop3A_299 = arith.maximumf %parallel_loop3A_296, %parallel_loop3A_298 : vector<16xf32>
          %parallel_loop3A_300 = arith.cmpf olt, %gather3A_71, %parallel_loop3A_280 : vector<16xf32>
          %parallel_loop3A_301 = arith.cmpf olt, %gather3A_71, %parallel_loop3A_283 : vector<16xf32>
          %parallel_loop3A_302 = arith.addf %sub3A_84, %parallel_loop3A_277 : vector<16xf32>
          %parallel_loop3A_303 = arith.subf %add3A_87, %parallel_loop3A_277 : vector<16xf32>
          %parallel_loop3A_304 = arith.select %parallel_loop3A_300, %parallel_loop3A_302, %parallel_loop3A_303 : vector<16xi1>, vector<16xf32>
          %parallel_loop3A_305 = arith.constant 0.000000e+00 : f32
          %parallel_loop3A_306 = vector.broadcast %parallel_loop3A_305 : f32 to vector<16xf32>
          %parallel_loop3A_307 = arith.maximumf %parallel_loop3A_304, %parallel_loop3A_306 : vector<16xf32>
          %parallel_loop3A_308 = arith.select %parallel_loop3A_285, %parallel_loop3A_291, %broadcast_in_dim3A_1 : vector<16xi1>, vector<16xf32>
          %parallel_loop3A_309 = arith.addf %parallel_loop3A_232, %parallel_loop3A_308 : vector<16xf32>
          %parallel_loop3A_310 = arith.select %parallel_loop3A_285, %broadcast_in_dim3A_3, %broadcast_in_dim3A_1 : vector<16xi1>, vector<16xf32>
          %parallel_loop3A_311 = arith.addf %parallel_loop3A_233, %parallel_loop3A_310 : vector<16xf32>
          %parallel_loop3A_312 = arith.select %parallel_loop3A_293, %parallel_loop3A_299, %broadcast_in_dim3A_1 : vector<16xi1>, vector<16xf32>
          %parallel_loop3A_313 = arith.addf %parallel_loop3A_234, %parallel_loop3A_312 : vector<16xf32>
          %parallel_loop3A_314 = arith.select %parallel_loop3A_293, %broadcast_in_dim3A_3, %broadcast_in_dim3A_1 : vector<16xi1>, vector<16xf32>
          %parallel_loop3A_315 = arith.addf %parallel_loop3A_235, %parallel_loop3A_314 : vector<16xf32>
          %parallel_loop3A_316 = arith.select %parallel_loop3A_301, %parallel_loop3A_307, %broadcast_in_dim3A_1 : vector<16xi1>, vector<16xf32>
          %parallel_loop3A_317 = arith.addf %parallel_loop3A_236, %parallel_loop3A_316 : vector<16xf32>
          %parallel_loop3A_318 = arith.select %parallel_loop3A_301, %broadcast_in_dim3A_3, %broadcast_in_dim3A_1 : vector<16xi1>, vector<16xf32>
          %parallel_loop3A_319 = arith.addf %parallel_loop3A_237, %parallel_loop3A_318 : vector<16xf32>
          scf.yield %parallel_loop3A_309, %parallel_loop3A_311, %parallel_loop3A_313, %parallel_loop3A_315, %parallel_loop3A_317, %parallel_loop3A_319 : vector<16xf32>, vector<16xf32>, vector<16xf32>, vector<16xf32>, vector<16xf32>, vector<16xf32>
        } {sc.loop_unroll_factor = 6 : i64, sc.parallel_access}
        %get3A_211 = arith.constant 0 : index
        %get3A_212 = tpu.vector_load %arg12[%get3A_211] {strides = array<i32>} : memref<16xf32, #tpu.memory_space<vmem>>, vector<16xf32>,
        %get3A_213 = vector.shape_cast %get3A_212 : vector<16xf32> to vector<16xf32>
        %add3A_214 = arith.addf %get3A_213, %parallel_loop3A_210#0 : vector<16xf32>
        %add3A_215 = arith.addf %add3A_214, %parallel_loop3A_210#2 : vector<16xf32>
        %add3A_216 = arith.addf %add3A_215, %parallel_loop3A_210#4 : vector<16xf32>
        %swap3A_217 = arith.constant 0 : index
        %swap3A_218 = tpu.vector_load %arg12[%swap3A_217] {strides = array<i32>} : memref<16xf32, #tpu.memory_space<vmem>>, vector<16xf32>,
        %swap3A_219 = vector.shape_cast %swap3A_218 : vector<16xf32> to vector<16xf32>
        %swap3A_220 = vector.shape_cast %add3A_216 : vector<16xf32> to vector<16xf32>
        tpu.vector_store %arg12[%swap3A_217], %swap3A_220 {strides = array<i32>} : memref<16xf32, #tpu.memory_space<vmem>>, vector<16xf32>,
        %get3A_221 = arith.constant 0 : index
        %get3A_222 = tpu.vector_load %arg13[%get3A_221] {strides = array<i32>} : memref<16xf32, #tpu.memory_space<vmem>>, vector<16xf32>,
        %get3A_223 = vector.shape_cast %get3A_222 : vector<16xf32> to vector<16xf32>
        %add3A_224 = arith.addf %get3A_223, %parallel_loop3A_210#1 : vector<16xf32>
        %add3A_225 = arith.addf %add3A_224, %parallel_loop3A_210#3 : vector<16xf32>
        %add3A_226 = arith.addf %add3A_225, %parallel_loop3A_210#5 : vector<16xf32>
        %swap3A_227 = arith.constant 0 : index
        %swap3A_228 = tpu.vector_load %arg13[%swap3A_227] {strides = array<i32>} : memref<16xf32, #tpu.memory_space<vmem>>, vector<16xf32>,
        %swap3A_229 = vector.shape_cast %swap3A_228 : vector<16xf32> to vector<16xf32>
        %swap3A_230 = vector.shape_cast %add3A_226 : vector<16xf32> to vector<16xf32>
        tpu.vector_store %arg13[%swap3A_227], %swap3A_230 {strides = array<i32>} : memref<16xf32, #tpu.memory_space<vmem>>, vector<16xf32>,
      } else {
        %parallel_loop3A_207 = arith.constant 1 : i32
        %parallel_loop3A_208 = arith.constant 43 : i32
        %parallel_loop3A_209 = arith.constant 1 : i32
        %parallel_loop3A_210:6 = scf.for %parallel_loop3A_231 = %parallel_loop3A_207 to %parallel_loop3A_208 step %parallel_loop3A_209 iter_args(%parallel_loop3A_232 = %broadcast_in_dim3A_1, %parallel_loop3A_233 = %broadcast_in_dim3A_1, %parallel_loop3A_234 = %broadcast_in_dim3A_1, %parallel_loop3A_235 = %broadcast_in_dim3A_1, %parallel_loop3A_236 = %broadcast_in_dim3A_1, %parallel_loop3A_237 = %broadcast_in_dim3A_1) -> (vector<16xf32>, vector<16xf32>, vector<16xf32>, vector<16xf32>, vector<16xf32>, vector<16xf32>)  : i32 {
          %parallel_loop3A_238 = arith.addi %select_n3A, %parallel_loop3A_231 : i32
          %parallel_loop3A_239 = arith.constant 255 : i32
          %parallel_loop3A_240 = arith.andi %parallel_loop3A_238, %parallel_loop3A_239 : i32
          %parallel_loop3A_241 = arith.constant 16 : i32
          %parallel_loop3A_242 = arith.muli %parallel_loop3A_240, %parallel_loop3A_241 : i32
          %parallel_loop3A_243 = arith.addi %select_n3A, %parallel_loop3A_231 : i32
          %parallel_loop3A_244 = arith.constant 42 : i32
          %parallel_loop3A_245 = arith.addi %parallel_loop3A_243, %parallel_loop3A_244 : i32
          %parallel_loop3A_246 = arith.constant 255 : i32
          %parallel_loop3A_247 = arith.andi %parallel_loop3A_245, %parallel_loop3A_246 : i32
          %parallel_loop3A_248 = arith.constant 16 : i32
          %parallel_loop3A_249 = arith.muli %parallel_loop3A_247, %parallel_loop3A_248 : i32
          %parallel_loop3A_250 = arith.addi %select_n3A, %parallel_loop3A_231 : i32
          %parallel_loop3A_251 = arith.constant 84 : i32
          %parallel_loop3A_252 = arith.addi %parallel_loop3A_250, %parallel_loop3A_251 : i32
          %parallel_loop3A_253 = arith.constant 255 : i32
          %parallel_loop3A_254 = arith.andi %parallel_loop3A_252, %parallel_loop3A_253 : i32
          %parallel_loop3A_255 = arith.constant 16 : i32
          %parallel_loop3A_256 = arith.muli %parallel_loop3A_254, %parallel_loop3A_255 : i32
          %parallel_loop3A_257 = arith.index_cast %parallel_loop3A_242 : i32 to index
          %parallel_loop3A_258 = tpu.vector_load %arg7[%parallel_loop3A_257] {strides = array<i32>} : memref<4096xf32, #tpu.memory_space<vmem>>, vector<16xf32>,
          %parallel_loop3A_259 = vector.shape_cast %parallel_loop3A_258 : vector<16xf32> to vector<16xf32>
          %parallel_loop3A_260 = arith.index_cast %parallel_loop3A_242 : i32 to index
          %parallel_loop3A_261 = tpu.vector_load %arg10[%parallel_loop3A_260] {strides = array<i32>} : memref<4096xf32, #tpu.memory_space<vmem>>, vector<16xf32>,
          %parallel_loop3A_262 = vector.shape_cast %parallel_loop3A_261 : vector<16xf32> to vector<16xf32>
          %parallel_loop3A_263 = arith.index_cast %parallel_loop3A_249 : i32 to index
          %parallel_loop3A_264 = tpu.vector_load %arg7[%parallel_loop3A_263] {strides = array<i32>} : memref<4096xf32, #tpu.memory_space<vmem>>, vector<16xf32>,
          %parallel_loop3A_265 = vector.shape_cast %parallel_loop3A_264 : vector<16xf32> to vector<16xf32>
          %parallel_loop3A_266 = arith.index_cast %parallel_loop3A_249 : i32 to index
          %parallel_loop3A_267 = tpu.vector_load %arg10[%parallel_loop3A_266] {strides = array<i32>} : memref<4096xf32, #tpu.memory_space<vmem>>, vector<16xf32>,
          %parallel_loop3A_268 = vector.shape_cast %parallel_loop3A_267 : vector<16xf32> to vector<16xf32>
          %parallel_loop3A_269 = arith.index_cast %parallel_loop3A_256 : i32 to index
          %parallel_loop3A_270 = tpu.vector_load %arg7[%parallel_loop3A_269] {strides = array<i32>} : memref<4096xf32, #tpu.memory_space<vmem>>, vector<16xf32>,
          %parallel_loop3A_271 = vector.shape_cast %parallel_loop3A_270 : vector<16xf32> to vector<16xf32>
          %parallel_loop3A_272 = arith.index_cast %parallel_loop3A_256 : i32 to index
          %parallel_loop3A_273 = tpu.vector_load %arg10[%parallel_loop3A_272] {strides = array<i32>} : memref<4096xf32, #tpu.memory_space<vmem>>, vector<16xf32>,
          %parallel_loop3A_274 = vector.shape_cast %parallel_loop3A_273 : vector<16xf32> to vector<16xf32>
          %parallel_loop3A_275 = arith.cmpf olt, %parallel_loop3A_262, %gather3A_71 : vector<16xf32>
          %parallel_loop3A_276 = arith.subf %add3A_87, %parallel_loop3A_259 : vector<16xf32>
          %parallel_loop3A_277 = arith.constant 0.000000e+00 : f32
          %parallel_loop3A_278 = vector.broadcast %parallel_loop3A_277 : f32 to vector<16xf32>
          %parallel_loop3A_279 = arith.maximumf %parallel_loop3A_276, %parallel_loop3A_278 : vector<16xf32>
          %parallel_loop3A_280 = arith.cmpf olt, %parallel_loop3A_268, %gather3A_71 : vector<16xf32>
          %parallel_loop3A_281 = arith.subf %add3A_87, %parallel_loop3A_265 : vector<16xf32>
          %parallel_loop3A_282 = arith.constant 0.000000e+00 : f32
          %parallel_loop3A_283 = vector.broadcast %parallel_loop3A_282 : f32 to vector<16xf32>
          %parallel_loop3A_284 = arith.maximumf %parallel_loop3A_281, %parallel_loop3A_283 : vector<16xf32>
          %parallel_loop3A_285 = arith.cmpf olt, %parallel_loop3A_274, %gather3A_71 : vector<16xf32>
          %parallel_loop3A_286 = arith.subf %add3A_87, %parallel_loop3A_271 : vector<16xf32>
          %parallel_loop3A_287 = arith.constant 0.000000e+00 : f32
          %parallel_loop3A_288 = vector.broadcast %parallel_loop3A_287 : f32 to vector<16xf32>
          %parallel_loop3A_289 = arith.maximumf %parallel_loop3A_286, %parallel_loop3A_288 : vector<16xf32>
          %parallel_loop3A_290 = arith.select %parallel_loop3A_275, %parallel_loop3A_279, %broadcast_in_dim3A_1 : vector<16xi1>, vector<16xf32>
          %parallel_loop3A_291 = arith.addf %parallel_loop3A_232, %parallel_loop3A_290 : vector<16xf32>
          %parallel_loop3A_292 = arith.select %parallel_loop3A_275, %broadcast_in_dim3A_3, %broadcast_in_dim3A_1 : vector<16xi1>, vector<16xf32>
          %parallel_loop3A_293 = arith.addf %parallel_loop3A_233, %parallel_loop3A_292 : vector<16xf32>
          %parallel_loop3A_294 = arith.select %parallel_loop3A_280, %parallel_loop3A_284, %broadcast_in_dim3A_1 : vector<16xi1>, vector<16xf32>
          %parallel_loop3A_295 = arith.addf %parallel_loop3A_234, %parallel_loop3A_294 : vector<16xf32>
          %parallel_loop3A_296 = arith.select %parallel_loop3A_280, %broadcast_in_dim3A_3, %broadcast_in_dim3A_1 : vector<16xi1>, vector<16xf32>
          %parallel_loop3A_297 = arith.addf %parallel_loop3A_235, %parallel_loop3A_296 : vector<16xf32>
          %parallel_loop3A_298 = arith.select %parallel_loop3A_285, %parallel_loop3A_289, %broadcast_in_dim3A_1 : vector<16xi1>, vector<16xf32>
          %parallel_loop3A_299 = arith.addf %parallel_loop3A_236, %parallel_loop3A_298 : vector<16xf32>
          %parallel_loop3A_300 = arith.select %parallel_loop3A_285, %broadcast_in_dim3A_3, %broadcast_in_dim3A_1 : vector<16xi1>, vector<16xf32>
          %parallel_loop3A_301 = arith.addf %parallel_loop3A_237, %parallel_loop3A_300 : vector<16xf32>
          scf.yield %parallel_loop3A_291, %parallel_loop3A_293, %parallel_loop3A_295, %parallel_loop3A_297, %parallel_loop3A_299, %parallel_loop3A_301 : vector<16xf32>, vector<16xf32>, vector<16xf32>, vector<16xf32>, vector<16xf32>, vector<16xf32>
        } {sc.loop_unroll_factor = 6 : i64, sc.parallel_access}
        %get3A_211 = arith.constant 0 : index
        %get3A_212 = tpu.vector_load %arg12[%get3A_211] {strides = array<i32>} : memref<16xf32, #tpu.memory_space<vmem>>, vector<16xf32>,
        %get3A_213 = vector.shape_cast %get3A_212 : vector<16xf32> to vector<16xf32>
        %add3A_214 = arith.addf %get3A_213, %parallel_loop3A_210#0 : vector<16xf32>
        %add3A_215 = arith.addf %add3A_214, %parallel_loop3A_210#2 : vector<16xf32>
        %add3A_216 = arith.addf %add3A_215, %parallel_loop3A_210#4 : vector<16xf32>
        %swap3A_217 = arith.constant 0 : index
        %swap3A_218 = tpu.vector_load %arg12[%swap3A_217] {strides = array<i32>} : memref<16xf32, #tpu.memory_space<vmem>>, vector<16xf32>,
        %swap3A_219 = vector.shape_cast %swap3A_218 : vector<16xf32> to vector<16xf32>
        %swap3A_220 = vector.shape_cast %add3A_216 : vector<16xf32> to vector<16xf32>
        tpu.vector_store %arg12[%swap3A_217], %swap3A_220 {strides = array<i32>} : memref<16xf32, #tpu.memory_space<vmem>>, vector<16xf32>,
        %get3A_221 = arith.constant 0 : index
        %get3A_222 = tpu.vector_load %arg13[%get3A_221] {strides = array<i32>} : memref<16xf32, #tpu.memory_space<vmem>>, vector<16xf32>,
        %get3A_223 = vector.shape_cast %get3A_222 : vector<16xf32> to vector<16xf32>
        %add3A_224 = arith.addf %get3A_223, %parallel_loop3A_210#1 : vector<16xf32>
        %add3A_225 = arith.addf %add3A_224, %parallel_loop3A_210#3 : vector<16xf32>
        %add3A_226 = arith.addf %add3A_225, %parallel_loop3A_210#5 : vector<16xf32>
        %swap3A_227 = arith.constant 0 : index
        %swap3A_228 = tpu.vector_load %arg13[%swap3A_227] {strides = array<i32>} : memref<16xf32, #tpu.memory_space<vmem>>, vector<16xf32>,
        %swap3A_229 = vector.shape_cast %swap3A_228 : vector<16xf32> to vector<16xf32>
        %swap3A_230 = vector.shape_cast %add3A_226 : vector<16xf32> to vector<16xf32>
        tpu.vector_store %arg13[%swap3A_227], %swap3A_230 {strides = array<i32>} : memref<16xf32, #tpu.memory_space<vmem>>, vector<16xf32>,
      }
    }
    %scan3A_19 = arith.constant 64 : i32
    "tpu.region"() ({
      %run_scoped3A = tpu.sem_alloc : memref<!tpu.dma_semaphore, #tpu.memory_space<semaphore_mem>>
      %dma_start3A = arith.constant 0 : i32
      %dma_start3A_20 = tpu.memref_slice %arg5[%add3A, %dma_start3A] : memref<32x16xf32, #tpu.memory_space<hbm>> -> memref<1x16xf32, #tpu.memory_space<hbm>>
      %dma_start3A_21 = tpu.memref_squeeze %dma_start3A_20 : memref<1x16xf32, #tpu.memory_space<hbm>> -> memref<16xf32, #tpu.memory_space<hbm>>
      %dma_start3A_22 = arith.constant 0 : i32
      %dma_start3A_23 = tpu.memref_slice %arg5[%add3A, %dma_start3A_22] : memref<32x16xf32, #tpu.memory_space<hbm>> -> memref<1x16xf32, #tpu.memory_space<hbm>>
      %dma_start3A_24 = tpu.memref_squeeze %dma_start3A_23 : memref<1x16xf32, #tpu.memory_space<hbm>> -> memref<16xf32, #tpu.memory_space<hbm>>
      tpu.enqueue_dma source(%arg12 : memref<16xf32, #tpu.memory_space<vmem>>) target(%dma_start3A_24 : memref<16xf32, #tpu.memory_space<hbm>>) target_semaphore(%run_scoped3A : memref<!tpu.dma_semaphore, #tpu.memory_space<semaphore_mem>>)
      %dma_wait3A = arith.constant 0 : i32
      %dma_wait3A_25 = tpu.memref_slice %arg5[%add3A, %dma_wait3A] : memref<32x16xf32, #tpu.memory_space<hbm>> -> memref<1x16xf32, #tpu.memory_space<hbm>>
      %dma_wait3A_26 = tpu.memref_squeeze %dma_wait3A_25 : memref<1x16xf32, #tpu.memory_space<hbm>> -> memref<16xf32, #tpu.memory_space<hbm>>
      %dma_wait3A_27 = arith.constant 0 : i32
      %dma_wait3A_28 = tpu.memref_slice %arg5[%add3A, %dma_wait3A_27] : memref<32x16xf32, #tpu.memory_space<hbm>> -> memref<1x16xf32, #tpu.memory_space<hbm>>
      %dma_wait3A_29 = tpu.memref_squeeze %dma_wait3A_28 : memref<1x16xf32, #tpu.memory_space<hbm>> -> memref<16xf32, #tpu.memory_space<hbm>>
      tpu.wait_dma2 semaphore(%run_scoped3A : memref<!tpu.dma_semaphore, #tpu.memory_space<semaphore_mem>>) src(%arg12 : memref<16xf32, #tpu.memory_space<vmem>>) dst(%dma_wait3A_29 : memref<16xf32, #tpu.memory_space<hbm>>)
      tpu.yield
    }) : () -> ()
    "tpu.region"() ({
      %run_scoped3A = tpu.sem_alloc : memref<!tpu.dma_semaphore, #tpu.memory_space<semaphore_mem>>
      %dma_start3A = arith.constant 0 : i32
      %dma_start3A_20 = tpu.memref_slice %arg6[%add3A, %dma_start3A] : memref<32x16xf32, #tpu.memory_space<hbm>> -> memref<1x16xf32, #tpu.memory_space<hbm>>
      %dma_start3A_21 = tpu.memref_squeeze %dma_start3A_20 : memref<1x16xf32, #tpu.memory_space<hbm>> -> memref<16xf32, #tpu.memory_space<hbm>>
      %dma_start3A_22 = arith.constant 0 : i32
      %dma_start3A_23 = tpu.memref_slice %arg6[%add3A, %dma_start3A_22] : memref<32x16xf32, #tpu.memory_space<hbm>> -> memref<1x16xf32, #tpu.memory_space<hbm>>
      %dma_start3A_24 = tpu.memref_squeeze %dma_start3A_23 : memref<1x16xf32, #tpu.memory_space<hbm>> -> memref<16xf32, #tpu.memory_space<hbm>>
      tpu.enqueue_dma source(%arg13 : memref<16xf32, #tpu.memory_space<vmem>>) target(%dma_start3A_24 : memref<16xf32, #tpu.memory_space<hbm>>) target_semaphore(%run_scoped3A : memref<!tpu.dma_semaphore, #tpu.memory_space<semaphore_mem>>)
      %dma_wait3A = arith.constant 0 : i32
      %dma_wait3A_25 = tpu.memref_slice %arg6[%add3A, %dma_wait3A] : memref<32x16xf32, #tpu.memory_space<hbm>> -> memref<1x16xf32, #tpu.memory_space<hbm>>
      %dma_wait3A_26 = tpu.memref_squeeze %dma_wait3A_25 : memref<1x16xf32, #tpu.memory_space<hbm>> -> memref<16xf32, #tpu.memory_space<hbm>>
      %dma_wait3A_27 = arith.constant 0 : i32
      %dma_wait3A_28 = tpu.memref_slice %arg6[%add3A, %dma_wait3A_27] : memref<32x16xf32, #tpu.memory_space<hbm>> -> memref<1x16xf32, #tpu.memory_space<hbm>>
      %dma_wait3A_29 = tpu.memref_squeeze %dma_wait3A_28 : memref<1x16xf32, #tpu.memory_space<hbm>> -> memref<16xf32, #tpu.memory_space<hbm>>
      tpu.wait_dma2 semaphore(%run_scoped3A : memref<!tpu.dma_semaphore, #tpu.memory_space<semaphore_mem>>) src(%arg13 : memref<16xf32, #tpu.memory_space<vmem>>) dst(%dma_wait3A_29 : memref<16xf32, #tpu.memory_space<hbm>>)
      tpu.yield
    }) : () -> ()
    return
  }
}

module attributes {stable_mosaic.version = 14 : i64} {
  func.func @_final_reduce(%arg0: memref<32x16xf32, #tpu.memory_space<vmem>>, %arg1: memref<32x16xf32, #tpu.memory_space<vmem>>, %arg2: memref<1x1xf32, #tpu.memory_space<smem>>, %arg3: memref<1x1xf32, #tpu.memory_space<smem>>, %arg4: memref<1x1xf32, #tpu.memory_space<vmem>>) attributes {dimension_semantics = [], scalar_prefetch = 0 : i64, scratch_operands = 0 : i64, tpu.core_type = #tpu.core_type<tc>} {
    %get3A = arith.constant 0 : index
    %get3A_0 = arith.constant 0 : index
    %get3A_1 = vector.load %arg0[%get3A, %get3A_0] : memref<32x16xf32, #tpu.memory_space<vmem>>, vector<32x16xf32>
    %reduce_sum3A = vector.shape_cast %get3A_1 : vector<32x16xf32> to vector<1x32x16xf32>
    %reduce_sum3A_2 = arith.constant dense<0.000000e+00> : vector<1xf32>
    %reduce_sum3A_3 = vector.multi_reduction <add>, %reduce_sum3A, %reduce_sum3A_2 [1, 2] : vector<1x32x16xf32> to vector<1xf32>
    %reduce_sum3A_4 = vector.shape_cast %reduce_sum3A_3 : vector<1xf32> to vector<1x1x1xf32>
    %reduce_sum3A_5 = vector.extract %reduce_sum3A_4[0, 0, 0] : f32 from vector<1x1x1xf32>
    %get3A_6 = arith.constant 0 : index
    %get3A_7 = arith.constant 0 : index
    %get3A_8 = memref.load %arg2[%get3A_6, %get3A_7] : memref<1x1xf32, #tpu.memory_space<smem>>
    %add3A = arith.addf %reduce_sum3A_5, %get3A_8 : f32
    %get3A_9 = arith.constant 0 : index
    %get3A_10 = arith.constant 0 : index
    %get3A_11 = vector.load %arg1[%get3A_9, %get3A_10] : memref<32x16xf32, #tpu.memory_space<vmem>>, vector<32x16xf32>
    %reduce_sum3A_12 = vector.shape_cast %get3A_11 : vector<32x16xf32> to vector<1x32x16xf32>
    %reduce_sum3A_13 = arith.constant dense<0.000000e+00> : vector<1xf32>
    %reduce_sum3A_14 = vector.multi_reduction <add>, %reduce_sum3A_12, %reduce_sum3A_13 [1, 2] : vector<1x32x16xf32> to vector<1xf32>
    %reduce_sum3A_15 = vector.shape_cast %reduce_sum3A_14 : vector<1xf32> to vector<1x1x1xf32>
    %reduce_sum3A_16 = vector.extract %reduce_sum3A_15[0, 0, 0] : f32 from vector<1x1x1xf32>
    %get3A_17 = arith.constant 0 : index
    %get3A_18 = arith.constant 0 : index
    %get3A_19 = memref.load %arg3[%get3A_17, %get3A_18] : memref<1x1xf32, #tpu.memory_space<smem>>
    %add3A_20 = arith.addf %reduce_sum3A_16, %get3A_19 : f32
    %div3A = arith.divf %add3A, %add3A_20 : f32
    %broadcast_in_dim3A = vector.broadcast %div3A : f32 to vector<1x1xf32>
    %swap3A = arith.constant 0 : index
    %swap3A_21 = arith.constant 0 : index
    %swap3A_22 = vector.load %arg4[%swap3A, %swap3A_21] : memref<1x1xf32, #tpu.memory_space<vmem>>, vector<1x1xf32>
    tpu.vector_store %arg4[%swap3A, %swap3A_21], %broadcast_in_dim3A {strides = array<i32>} : memref<1x1xf32, #tpu.memory_space<vmem>>, vector<1x1xf32>,
    return
  }
}

module attributes {stable_mosaic.version = 14 : i64} {
  func.func @_tc_band(%arg0: i32, %arg1: memref<1x512xf32, #tpu.memory_space<vmem>>, %arg2: memref<1x512xf32, #tpu.memory_space<vmem>>, %arg3: memref<1x512xf32, #tpu.memory_space<vmem>>, %arg4: memref<1x512xf32, #tpu.memory_space<vmem>>, %arg5: memref<1x512xf32, #tpu.memory_space<vmem>>, %arg6: memref<1x512xf32, #tpu.memory_space<vmem>>, %arg7: memref<1x512xf32, #tpu.memory_space<vmem>>, %arg8: memref<1x512xf32, #tpu.memory_space<vmem>>, %arg9: memref<1x512xf32, #tpu.memory_space<vmem>>, %arg10: memref<1x512xf32, #tpu.memory_space<vmem>>, %arg11: memref<1x512xf32, #tpu.memory_space<vmem>>, %arg12: memref<1x512xf32, #tpu.memory_space<vmem>>, %arg13: memref<1x512xf32, #tpu.memory_space<vmem>>, %arg14: memref<1x512xf32, #tpu.memory_space<vmem>>, %arg15: memref<1x512xf32, #tpu.memory_space<vmem>>, %arg16: memref<512x1xf32, #tpu.memory_space<vmem>>, %arg17: memref<512x1xf32, #tpu.memory_space<vmem>>, %arg18: memref<512x1xf32, #tpu.memory_space<vmem>>, %arg19: memref<1x1xf32, #tpu.memory_space<smem>>, %arg20: memref<1x1xf32, #tpu.memory_space<smem>>) attributes {dimension_semantics = [#tpu.dimension_semantics<arbitrary>], iteration_bounds = array<i64: 4>, scalar_prefetch = 0 : i64, scratch_operands = 0 : i64, tpu.core_type = #tpu.core_type<tc>, window_params = [{transform_indices = @transform_0, window_bounds = array<i64: 1, 512>}, {transform_indices = @transform_1, window_bounds = array<i64: 1, 512>}, {transform_indices = @transform_2, window_bounds = array<i64: 1, 512>}, {transform_indices = @transform_3, window_bounds = array<i64: 1, 512>}, {transform_indices = @transform_4, window_bounds = array<i64: 1, 512>}, {transform_indices = @transform_5, window_bounds = array<i64: 1, 512>}, {transform_indices = @transform_6, window_bounds = array<i64: 1, 512>}, {transform_indices = @transform_7, window_bounds = array<i64: 1, 512>}, {transform_indices = @transform_8, window_bounds = array<i64: 1, 512>}, {transform_indices = @transform_9, window_bounds = array<i64: 1, 512>}, {transform_indices = @transform_10, window_bounds = array<i64: 1, 512>}, {transform_indices = @transform_11, window_bounds = array<i64: 1, 512>}, {transform_indices = @transform_12, window_bounds = array<i64: 1, 512>}, {transform_indices = @transform_13, window_bounds = array<i64: 1, 512>}, {transform_indices = @transform_14, window_bounds = array<i64: 1, 512>}, {transform_indices = @transform_15, window_bounds = array<i64: 512, 1>}, {transform_indices = @transform_16, window_bounds = array<i64: 512, 1>}, {transform_indices = @transform_17, window_bounds = array<i64: 512, 1>}, {transform_indices = @transform_18, window_bounds = array<i64: 1, 1>}, {transform_indices = @transform_19, window_bounds = array<i64: 1, 1>}]} {
    %mul3A = arith.constant 512 : i32
    %mul3A_0 = arith.muli %arg0, %mul3A : i32
    %add3A = arith.constant 2048 : i32
    %add3A_1 = arith.addi %add3A, %mul3A_0 : i32
    %get3A = arith.constant 0 : index
    %get3A_2 = arith.constant 0 : index
    %get3A_3 = vector.load %arg16[%get3A, %get3A_2] : memref<512x1xf32, #tpu.memory_space<vmem>>, vector<512x1xf32>
    %get3A_4 = arith.constant 0 : index
    %get3A_5 = arith.constant 0 : index
    %get3A_6 = vector.load %arg17[%get3A_4, %get3A_5] : memref<512x1xf32, #tpu.memory_space<vmem>>, vector<512x1xf32>
    %get3A_7 = arith.constant 0 : index
    %get3A_8 = arith.constant 0 : index
    %get3A_9 = vector.load %arg18[%get3A_7, %get3A_8] : memref<512x1xf32, #tpu.memory_space<vmem>>, vector<512x1xf32>
    %sub3A = arith.constant 5.000000e-01 : f32
    %sub3A_10 = vector.broadcast %sub3A : f32 to vector<512x1xf32>
    %sub3A_11 = arith.subf %sub3A_10, %get3A_3 : vector<512x1xf32>
    %add3A_12 = arith.constant 5.000000e-01 : f32
    %add3A_13 = vector.broadcast %add3A_12 : f32 to vector<512x1xf32>
    %add3A_14 = arith.addf %add3A_13, %get3A_3 : vector<512x1xf32>
    %gt3A = arith.constant 0.000000e+00 : f32
    %gt3A_15 = vector.broadcast %gt3A : f32 to vector<512x1xf32>
    %gt3A_16 = arith.cmpf ogt, %get3A_9, %gt3A_15 : vector<512x1xf32>
    %iota3A = tpu.iota {dimensions = array<i32: 0>} : vector<512x1xi32>
    %add3A_17 = arith.constant 2048 : i32
    %add3A_18 = vector.broadcast %add3A_17 : i32 to vector<512x1xi32>
    %add3A_19 = arith.addi %iota3A, %add3A_18 : vector<512x1xi32>
    %add3A_20 = vector.broadcast %add3A_1 : i32 to vector<512x1xi32>
    %add3A_21 = arith.addi %add3A_20, %iota3A : vector<512x1xi32>
    %ge3A = arith.constant 2048 : i32
    %ge3A_22 = vector.broadcast %ge3A : i32 to vector<512x1xi32>
    %ge3A_23 = arith.cmpi sge, %add3A_21, %ge3A_22 : vector<512x1xi32>
    %jit3A = arith.constant 1 : i32
    %jit3A_24 = arith.constant 0 : i32
    %broadcast_in_dim3A = vector.broadcast %jit3A : i32 to vector<512x1xi32>
    %broadcast_in_dim3A_25 = vector.broadcast %jit3A_24 : i32 to vector<512x1xi32>
    %select_n3A = arith.select %ge3A_23, %broadcast_in_dim3A, %broadcast_in_dim3A_25 : vector<512x1xi1>, vector<512x1xi32>
    %sub3A_26 = arith.subi %add3A_19, %select_n3A : vector<512x1xi32>
    %get3A_27 = arith.constant 0 : index
    %get3A_28 = arith.constant 0 : index
    %get3A_29 = vector.load %arg1[%get3A_27, %get3A_28] : memref<1x512xf32, #tpu.memory_space<vmem>>, vector<1x512xf32>
    %get3A_30 = arith.constant 0 : index
    %get3A_31 = arith.constant 0 : index
    %get3A_32 = vector.load %arg6[%get3A_30, %get3A_31] : memref<1x512xf32, #tpu.memory_space<vmem>>, vector<1x512xf32>
    %get3A_33 = arith.constant 0 : index
    %get3A_34 = arith.constant 0 : index
    %get3A_35 = vector.load %arg11[%get3A_33, %get3A_34] : memref<1x512xf32, #tpu.memory_space<vmem>>, vector<1x512xf32>
    %gt3A_36 = arith.constant 0.000000e+00 : f32
    %gt3A_37 = vector.broadcast %gt3A_36 : f32 to vector<1x512xf32>
    %gt3A_38 = arith.cmpf ogt, %get3A_35, %gt3A_37 : vector<1x512xf32>
    %jit3A_39 = arith.constant 0x7F800000 : f32
    %broadcast_in_dim3A_40 = vector.broadcast %jit3A_39 : f32 to vector<1x512xf32>
    %select_n3A_41 = arith.select %gt3A_38, %get3A_32, %broadcast_in_dim3A_40 : vector<1x512xi1>, vector<1x512xf32>
    %jit3A_42 = arith.constant 0x7F800000 : f32
    %broadcast_in_dim3A_43 = vector.broadcast %jit3A_42 : f32 to vector<1x512xf32>
    %select_n3A_44 = arith.select %gt3A_38, %broadcast_in_dim3A_43, %get3A_32 : vector<1x512xi1>, vector<1x512xf32>
    %iota3A_45 = tpu.iota {dimensions = array<i32: 1>} : vector<1x512xi32>
    %add3A_46 = arith.constant 0 : i32
    %add3A_47 = vector.broadcast %add3A_46 : i32 to vector<1x512xi32>
    %add3A_48 = arith.addi %add3A_47, %iota3A_45 : vector<1x512xi32>
    %gt3A_49 = vector.broadcast %add3A_48 : vector<1x512xi32> to vector<512x512xi32>
    %gt3A_50 = vector.broadcast %iota3A : vector<512x1xi32> to vector<512x512xi32>
    %gt3A_51 = arith.cmpi sgt, %gt3A_49, %gt3A_50 : vector<512x512xi32>
    %le3A = vector.broadcast %add3A_48 : vector<1x512xi32> to vector<512x512xi32>
    %le3A_52 = vector.broadcast %sub3A_26 : vector<512x1xi32> to vector<512x512xi32>
    %le3A_53 = arith.cmpi sle, %le3A, %le3A_52 : vector<512x512xi32>
    %and3A = arith.andi %gt3A_51, %le3A_53 : vector<512x512xi1>
    %lt3A = vector.broadcast %get3A_6 : vector<512x1xf32> to vector<512x512xf32>
    %lt3A_54 = vector.broadcast %get3A_32 : vector<1x512xf32> to vector<512x512xf32>
    %lt3A_55 = arith.cmpf olt, %lt3A, %lt3A_54 : vector<512x512xf32>
    %lt3A_56 = vector.broadcast %get3A_6 : vector<512x1xf32> to vector<512x512xf32>
    %lt3A_57 = vector.broadcast %select_n3A_44 : vector<1x512xf32> to vector<512x512xf32>
    %lt3A_58 = arith.cmpf olt, %lt3A_56, %lt3A_57 : vector<512x512xf32>
    %and3A_59 = vector.broadcast %gt3A_16 : vector<512x1xi1> to vector<512x512xi1>
    %and3A_60 = arith.andi %and3A_59, %lt3A_58 : vector<512x512xi1>
    %not3A = arith.constant dense<true> : vector<512x1xi1>
    %not3A_61 = arith.xori %gt3A_16, %not3A : vector<512x1xi1>
    %lt3A_62 = vector.broadcast %select_n3A_41 : vector<1x512xf32> to vector<512x512xf32>
    %lt3A_63 = vector.broadcast %get3A_6 : vector<512x1xf32> to vector<512x512xf32>
    %lt3A_64 = arith.cmpf olt, %lt3A_62, %lt3A_63 : vector<512x512xf32>
    %and3A_65 = vector.broadcast %not3A_61 : vector<512x1xi1> to vector<512x512xi1>
    %and3A_66 = arith.andi %and3A_65, %lt3A_64 : vector<512x512xi1>
    %or3A = arith.ori %and3A_60, %and3A_66 : vector<512x512xi1>
    %and3A_67 = arith.andi %or3A, %and3A : vector<512x512xi1>
    %add3A_68 = vector.broadcast %sub3A_11 : vector<512x1xf32> to vector<512x512xf32>
    %add3A_69 = vector.broadcast %get3A_29 : vector<1x512xf32> to vector<512x512xf32>
    %add3A_70 = arith.addf %add3A_68, %add3A_69 : vector<512x512xf32>
    %sub3A_71 = vector.broadcast %add3A_14 : vector<512x1xf32> to vector<512x512xf32>
    %sub3A_72 = vector.broadcast %get3A_29 : vector<1x512xf32> to vector<512x512xf32>
    %sub3A_73 = arith.subf %sub3A_71, %sub3A_72 : vector<512x512xf32>
    %select_n3A_74 = arith.select %lt3A_55, %add3A_70, %sub3A_73 : vector<512x512xi1>, vector<512x512xf32>
    %max3A = arith.constant 0.000000e+00 : f32
    %max3A_75 = vector.broadcast %max3A : f32 to vector<512x512xf32>
    %max3A_76 = arith.maximumf %select_n3A_74, %max3A_75 : vector<512x512xf32>
    %jit3A_77 = arith.constant 0.000000e+00 : f32
    %broadcast_in_dim3A_78 = vector.broadcast %jit3A_77 : f32 to vector<512x512xf32>
    %select_n3A_79 = arith.select %and3A_67, %max3A_76, %broadcast_in_dim3A_78 : vector<512x512xi1>, vector<512x512xf32>
    %reduce_sum3A = vector.shape_cast %select_n3A_79 : vector<512x512xf32> to vector<1x512x512xf32>
    %reduce_sum3A_80 = arith.constant dense<0.000000e+00> : vector<1xf32>
    %reduce_sum3A_81 = vector.multi_reduction <add>, %reduce_sum3A, %reduce_sum3A_80 [1, 2] : vector<1x512x512xf32> to vector<1xf32>
    %reduce_sum3A_82 = vector.shape_cast %reduce_sum3A_81 : vector<1xf32> to vector<1x1x1xf32>
    %reduce_sum3A_83 = vector.extract %reduce_sum3A_82[0, 0, 0] : f32 from vector<1x1x1xf32>
    %add3A_84 = arith.constant 0.000000e+00 : f32
    %add3A_85 = arith.addf %add3A_84, %reduce_sum3A_83 : f32
    %jit3A_86 = arith.constant 1.000000e+00 : f32
    %jit3A_87 = arith.constant 0.000000e+00 : f32
    %broadcast_in_dim3A_88 = vector.broadcast %jit3A_86 : f32 to vector<512x512xf32>
    %broadcast_in_dim3A_89 = vector.broadcast %jit3A_87 : f32 to vector<512x512xf32>
    %select_n3A_90 = arith.select %and3A_67, %broadcast_in_dim3A_88, %broadcast_in_dim3A_89 : vector<512x512xi1>, vector<512x512xf32>
    %reduce_sum3A_91 = vector.shape_cast %select_n3A_90 : vector<512x512xf32> to vector<1x512x512xf32>
    %reduce_sum3A_92 = arith.constant dense<0.000000e+00> : vector<1xf32>
    %reduce_sum3A_93 = vector.multi_reduction <add>, %reduce_sum3A_91, %reduce_sum3A_92 [1, 2] : vector<1x512x512xf32> to vector<1xf32>
    %reduce_sum3A_94 = vector.shape_cast %reduce_sum3A_93 : vector<1xf32> to vector<1x1x1xf32>
    %reduce_sum3A_95 = vector.extract %reduce_sum3A_94[0, 0, 0] : f32 from vector<1x1x1xf32>
    %add3A_96 = arith.constant 0.000000e+00 : f32
    %add3A_97 = arith.addf %add3A_96, %reduce_sum3A_95 : f32
    %get3A_98 = arith.constant 0 : index
    %get3A_99 = arith.constant 0 : index
    %get3A_100 = vector.load %arg2[%get3A_98, %get3A_99] : memref<1x512xf32, #tpu.memory_space<vmem>>, vector<1x512xf32>
    %get3A_101 = arith.constant 0 : index
    %get3A_102 = arith.constant 0 : index
    %get3A_103 = vector.load %arg7[%get3A_101, %get3A_102] : memref<1x512xf32, #tpu.memory_space<vmem>>, vector<1x512xf32>
    %get3A_104 = arith.constant 0 : index
    %get3A_105 = arith.constant 0 : index
    %get3A_106 = vector.load %arg12[%get3A_104, %get3A_105] : memref<1x512xf32, #tpu.memory_space<vmem>>, vector<1x512xf32>
    %gt3A_107 = arith.constant 0.000000e+00 : f32
    %gt3A_108 = vector.broadcast %gt3A_107 : f32 to vector<1x512xf32>
    %gt3A_109 = arith.cmpf ogt, %get3A_106, %gt3A_108 : vector<1x512xf32>
    %jit3A_110 = arith.constant 0x7F800000 : f32
    %broadcast_in_dim3A_111 = vector.broadcast %jit3A_110 : f32 to vector<1x512xf32>
    %select_n3A_112 = arith.select %gt3A_109, %get3A_103, %broadcast_in_dim3A_111 : vector<1x512xi1>, vector<1x512xf32>
    %jit3A_113 = arith.constant 0x7F800000 : f32
    %broadcast_in_dim3A_114 = vector.broadcast %jit3A_113 : f32 to vector<1x512xf32>
    %select_n3A_115 = arith.select %gt3A_109, %broadcast_in_dim3A_114, %get3A_103 : vector<1x512xi1>, vector<1x512xf32>
    %iota3A_116 = tpu.iota {dimensions = array<i32: 1>} : vector<1x512xi32>
    %add3A_117 = arith.constant 512 : i32
    %add3A_118 = vector.broadcast %add3A_117 : i32 to vector<1x512xi32>
    %add3A_119 = arith.addi %add3A_118, %iota3A_116 : vector<1x512xi32>
    %gt3A_120 = vector.broadcast %add3A_119 : vector<1x512xi32> to vector<512x512xi32>
    %gt3A_121 = vector.broadcast %iota3A : vector<512x1xi32> to vector<512x512xi32>
    %gt3A_122 = arith.cmpi sgt, %gt3A_120, %gt3A_121 : vector<512x512xi32>
    %le3A_123 = vector.broadcast %add3A_119 : vector<1x512xi32> to vector<512x512xi32>
    %le3A_124 = vector.broadcast %sub3A_26 : vector<512x1xi32> to vector<512x512xi32>
    %le3A_125 = arith.cmpi sle, %le3A_123, %le3A_124 : vector<512x512xi32>
    %and3A_126 = arith.andi %gt3A_122, %le3A_125 : vector<512x512xi1>
    %lt3A_127 = vector.broadcast %get3A_6 : vector<512x1xf32> to vector<512x512xf32>
    %lt3A_128 = vector.broadcast %get3A_103 : vector<1x512xf32> to vector<512x512xf32>
    %lt3A_129 = arith.cmpf olt, %lt3A_127, %lt3A_128 : vector<512x512xf32>
    %lt3A_130 = vector.broadcast %get3A_6 : vector<512x1xf32> to vector<512x512xf32>
    %lt3A_131 = vector.broadcast %select_n3A_115 : vector<1x512xf32> to vector<512x512xf32>
    %lt3A_132 = arith.cmpf olt, %lt3A_130, %lt3A_131 : vector<512x512xf32>
    %and3A_133 = vector.broadcast %gt3A_16 : vector<512x1xi1> to vector<512x512xi1>
    %and3A_134 = arith.andi %and3A_133, %lt3A_132 : vector<512x512xi1>
    %not3A_135 = arith.constant dense<true> : vector<512x1xi1>
    %not3A_136 = arith.xori %gt3A_16, %not3A_135 : vector<512x1xi1>
    %lt3A_137 = vector.broadcast %select_n3A_112 : vector<1x512xf32> to vector<512x512xf32>
    %lt3A_138 = vector.broadcast %get3A_6 : vector<512x1xf32> to vector<512x512xf32>
    %lt3A_139 = arith.cmpf olt, %lt3A_137, %lt3A_138 : vector<512x512xf32>
    %and3A_140 = vector.broadcast %not3A_136 : vector<512x1xi1> to vector<512x512xi1>
    %and3A_141 = arith.andi %and3A_140, %lt3A_139 : vector<512x512xi1>
    %or3A_142 = arith.ori %and3A_134, %and3A_141 : vector<512x512xi1>
    %and3A_143 = arith.andi %or3A_142, %and3A_126 : vector<512x512xi1>
    %add3A_144 = vector.broadcast %sub3A_11 : vector<512x1xf32> to vector<512x512xf32>
    %add3A_145 = vector.broadcast %get3A_100 : vector<1x512xf32> to vector<512x512xf32>
    %add3A_146 = arith.addf %add3A_144, %add3A_145 : vector<512x512xf32>
    %sub3A_147 = vector.broadcast %add3A_14 : vector<512x1xf32> to vector<512x512xf32>
    %sub3A_148 = vector.broadcast %get3A_100 : vector<1x512xf32> to vector<512x512xf32>
    %sub3A_149 = arith.subf %sub3A_147, %sub3A_148 : vector<512x512xf32>
    %select_n3A_150 = arith.select %lt3A_129, %add3A_146, %sub3A_149 : vector<512x512xi1>, vector<512x512xf32>
    %max3A_151 = arith.constant 0.000000e+00 : f32
    %max3A_152 = vector.broadcast %max3A_151 : f32 to vector<512x512xf32>
    %max3A_153 = arith.maximumf %select_n3A_150, %max3A_152 : vector<512x512xf32>
    %jit3A_154 = arith.constant 0.000000e+00 : f32
    %broadcast_in_dim3A_155 = vector.broadcast %jit3A_154 : f32 to vector<512x512xf32>
    %select_n3A_156 = arith.select %and3A_143, %max3A_153, %broadcast_in_dim3A_155 : vector<512x512xi1>, vector<512x512xf32>
    %reduce_sum3A_157 = vector.shape_cast %select_n3A_156 : vector<512x512xf32> to vector<1x512x512xf32>
    %reduce_sum3A_158 = arith.constant dense<0.000000e+00> : vector<1xf32>
    %reduce_sum3A_159 = vector.multi_reduction <add>, %reduce_sum3A_157, %reduce_sum3A_158 [1, 2] : vector<1x512x512xf32> to vector<1xf32>
    %reduce_sum3A_160 = vector.shape_cast %reduce_sum3A_159 : vector<1xf32> to vector<1x1x1xf32>
    %reduce_sum3A_161 = vector.extract %reduce_sum3A_160[0, 0, 0] : f32 from vector<1x1x1xf32>
    %add3A_162 = arith.addf %add3A_85, %reduce_sum3A_161 : f32
    %jit3A_163 = arith.constant 1.000000e+00 : f32
    %jit3A_164 = arith.constant 0.000000e+00 : f32
    %broadcast_in_dim3A_165 = vector.broadcast %jit3A_163 : f32 to vector<512x512xf32>
    %broadcast_in_dim3A_166 = vector.broadcast %jit3A_164 : f32 to vector<512x512xf32>
    %select_n3A_167 = arith.select %and3A_143, %broadcast_in_dim3A_165, %broadcast_in_dim3A_166 : vector<512x512xi1>, vector<512x512xf32>
    %reduce_sum3A_168 = vector.shape_cast %select_n3A_167 : vector<512x512xf32> to vector<1x512x512xf32>
    %reduce_sum3A_169 = arith.constant dense<0.000000e+00> : vector<1xf32>
    %reduce_sum3A_170 = vector.multi_reduction <add>, %reduce_sum3A_168, %reduce_sum3A_169 [1, 2] : vector<1x512x512xf32> to vector<1xf32>
    %reduce_sum3A_171 = vector.shape_cast %reduce_sum3A_170 : vector<1xf32> to vector<1x1x1xf32>
    %reduce_sum3A_172 = vector.extract %reduce_sum3A_171[0, 0, 0] : f32 from vector<1x1x1xf32>
    %add3A_173 = arith.addf %add3A_97, %reduce_sum3A_172 : f32
    %get3A_174 = arith.constant 0 : index
    %get3A_175 = arith.constant 0 : index
    %get3A_176 = vector.load %arg3[%get3A_174, %get3A_175] : memref<1x512xf32, #tpu.memory_space<vmem>>, vector<1x512xf32>
    %get3A_177 = arith.constant 0 : index
    %get3A_178 = arith.constant 0 : index
    %get3A_179 = vector.load %arg8[%get3A_177, %get3A_178] : memref<1x512xf32, #tpu.memory_space<vmem>>, vector<1x512xf32>
    %get3A_180 = arith.constant 0 : index
    %get3A_181 = arith.constant 0 : index
    %get3A_182 = vector.load %arg13[%get3A_180, %get3A_181] : memref<1x512xf32, #tpu.memory_space<vmem>>, vector<1x512xf32>
    %gt3A_183 = arith.constant 0.000000e+00 : f32
    %gt3A_184 = vector.broadcast %gt3A_183 : f32 to vector<1x512xf32>
    %gt3A_185 = arith.cmpf ogt, %get3A_182, %gt3A_184 : vector<1x512xf32>
    %jit3A_186 = arith.constant 0x7F800000 : f32
    %broadcast_in_dim3A_187 = vector.broadcast %jit3A_186 : f32 to vector<1x512xf32>
    %select_n3A_188 = arith.select %gt3A_185, %get3A_179, %broadcast_in_dim3A_187 : vector<1x512xi1>, vector<1x512xf32>
    %jit3A_189 = arith.constant 0x7F800000 : f32
    %broadcast_in_dim3A_190 = vector.broadcast %jit3A_189 : f32 to vector<1x512xf32>
    %select_n3A_191 = arith.select %gt3A_185, %broadcast_in_dim3A_190, %get3A_179 : vector<1x512xi1>, vector<1x512xf32>
    %iota3A_192 = tpu.iota {dimensions = array<i32: 1>} : vector<1x512xi32>
    %add3A_193 = arith.constant 1024 : i32
    %add3A_194 = vector.broadcast %add3A_193 : i32 to vector<1x512xi32>
    %add3A_195 = arith.addi %add3A_194, %iota3A_192 : vector<1x512xi32>
    %gt3A_196 = vector.broadcast %add3A_195 : vector<1x512xi32> to vector<512x512xi32>
    %gt3A_197 = vector.broadcast %iota3A : vector<512x1xi32> to vector<512x512xi32>
    %gt3A_198 = arith.cmpi sgt, %gt3A_196, %gt3A_197 : vector<512x512xi32>
    %le3A_199 = vector.broadcast %add3A_195 : vector<1x512xi32> to vector<512x512xi32>
    %le3A_200 = vector.broadcast %sub3A_26 : vector<512x1xi32> to vector<512x512xi32>
    %le3A_201 = arith.cmpi sle, %le3A_199, %le3A_200 : vector<512x512xi32>
    %and3A_202 = arith.andi %gt3A_198, %le3A_201 : vector<512x512xi1>
    %lt3A_203 = vector.broadcast %get3A_6 : vector<512x1xf32> to vector<512x512xf32>
    %lt3A_204 = vector.broadcast %get3A_179 : vector<1x512xf32> to vector<512x512xf32>
    %lt3A_205 = arith.cmpf olt, %lt3A_203, %lt3A_204 : vector<512x512xf32>
    %lt3A_206 = vector.broadcast %get3A_6 : vector<512x1xf32> to vector<512x512xf32>
    %lt3A_207 = vector.broadcast %select_n3A_191 : vector<1x512xf32> to vector<512x512xf32>
    %lt3A_208 = arith.cmpf olt, %lt3A_206, %lt3A_207 : vector<512x512xf32>
    %and3A_209 = vector.broadcast %gt3A_16 : vector<512x1xi1> to vector<512x512xi1>
    %and3A_210 = arith.andi %and3A_209, %lt3A_208 : vector<512x512xi1>
    %not3A_211 = arith.constant dense<true> : vector<512x1xi1>
    %not3A_212 = arith.xori %gt3A_16, %not3A_211 : vector<512x1xi1>
    %lt3A_213 = vector.broadcast %select_n3A_188 : vector<1x512xf32> to vector<512x512xf32>
    %lt3A_214 = vector.broadcast %get3A_6 : vector<512x1xf32> to vector<512x512xf32>
    %lt3A_215 = arith.cmpf olt, %lt3A_213, %lt3A_214 : vector<512x512xf32>
    %and3A_216 = vector.broadcast %not3A_212 : vector<512x1xi1> to vector<512x512xi1>
    %and3A_217 = arith.andi %and3A_216, %lt3A_215 : vector<512x512xi1>
    %or3A_218 = arith.ori %and3A_210, %and3A_217 : vector<512x512xi1>
    %and3A_219 = arith.andi %or3A_218, %and3A_202 : vector<512x512xi1>
    %add3A_220 = vector.broadcast %sub3A_11 : vector<512x1xf32> to vector<512x512xf32>
    %add3A_221 = vector.broadcast %get3A_176 : vector<1x512xf32> to vector<512x512xf32>
    %add3A_222 = arith.addf %add3A_220, %add3A_221 : vector<512x512xf32>
    %sub3A_223 = vector.broadcast %add3A_14 : vector<512x1xf32> to vector<512x512xf32>
    %sub3A_224 = vector.broadcast %get3A_176 : vector<1x512xf32> to vector<512x512xf32>
    %sub3A_225 = arith.subf %sub3A_223, %sub3A_224 : vector<512x512xf32>
    %select_n3A_226 = arith.select %lt3A_205, %add3A_222, %sub3A_225 : vector<512x512xi1>, vector<512x512xf32>
    %max3A_227 = arith.constant 0.000000e+00 : f32
    %max3A_228 = vector.broadcast %max3A_227 : f32 to vector<512x512xf32>
    %max3A_229 = arith.maximumf %select_n3A_226, %max3A_228 : vector<512x512xf32>
    %jit3A_230 = arith.constant 0.000000e+00 : f32
    %broadcast_in_dim3A_231 = vector.broadcast %jit3A_230 : f32 to vector<512x512xf32>
    %select_n3A_232 = arith.select %and3A_219, %max3A_229, %broadcast_in_dim3A_231 : vector<512x512xi1>, vector<512x512xf32>
    %reduce_sum3A_233 = vector.shape_cast %select_n3A_232 : vector<512x512xf32> to vector<1x512x512xf32>
    %reduce_sum3A_234 = arith.constant dense<0.000000e+00> : vector<1xf32>
    %reduce_sum3A_235 = vector.multi_reduction <add>, %reduce_sum3A_233, %reduce_sum3A_234 [1, 2] : vector<1x512x512xf32> to vector<1xf32>
    %reduce_sum3A_236 = vector.shape_cast %reduce_sum3A_235 : vector<1xf32> to vector<1x1x1xf32>
    %reduce_sum3A_237 = vector.extract %reduce_sum3A_236[0, 0, 0] : f32 from vector<1x1x1xf32>
    %add3A_238 = arith.addf %add3A_162, %reduce_sum3A_237 : f32
    %jit3A_239 = arith.constant 1.000000e+00 : f32
    %jit3A_240 = arith.constant 0.000000e+00 : f32
    %broadcast_in_dim3A_241 = vector.broadcast %jit3A_239 : f32 to vector<512x512xf32>
    %broadcast_in_dim3A_242 = vector.broadcast %jit3A_240 : f32 to vector<512x512xf32>
    %select_n3A_243 = arith.select %and3A_219, %broadcast_in_dim3A_241, %broadcast_in_dim3A_242 : vector<512x512xi1>, vector<512x512xf32>
    %reduce_sum3A_244 = vector.shape_cast %select_n3A_243 : vector<512x512xf32> to vector<1x512x512xf32>
    %reduce_sum3A_245 = arith.constant dense<0.000000e+00> : vector<1xf32>
    %reduce_sum3A_246 = vector.multi_reduction <add>, %reduce_sum3A_244, %reduce_sum3A_245 [1, 2] : vector<1x512x512xf32> to vector<1xf32>
    %reduce_sum3A_247 = vector.shape_cast %reduce_sum3A_246 : vector<1xf32> to vector<1x1x1xf32>
    %reduce_sum3A_248 = vector.extract %reduce_sum3A_247[0, 0, 0] : f32 from vector<1x1x1xf32>
    %add3A_249 = arith.addf %add3A_173, %reduce_sum3A_248 : f32
    %get3A_250 = arith.constant 0 : index
    %get3A_251 = arith.constant 0 : index
    %get3A_252 = vector.load %arg4[%get3A_250, %get3A_251] : memref<1x512xf32, #tpu.memory_space<vmem>>, vector<1x512xf32>
    %get3A_253 = arith.constant 0 : index
    %get3A_254 = arith.constant 0 : index
    %get3A_255 = vector.load %arg9[%get3A_253, %get3A_254] : memref<1x512xf32, #tpu.memory_space<vmem>>, vector<1x512xf32>
    %get3A_256 = arith.constant 0 : index
    %get3A_257 = arith.constant 0 : index
    %get3A_258 = vector.load %arg14[%get3A_256, %get3A_257] : memref<1x512xf32, #tpu.memory_space<vmem>>, vector<1x512xf32>
    %gt3A_259 = arith.constant 0.000000e+00 : f32
    %gt3A_260 = vector.broadcast %gt3A_259 : f32 to vector<1x512xf32>
    %gt3A_261 = arith.cmpf ogt, %get3A_258, %gt3A_260 : vector<1x512xf32>
    %jit3A_262 = arith.constant 0x7F800000 : f32
    %broadcast_in_dim3A_263 = vector.broadcast %jit3A_262 : f32 to vector<1x512xf32>
    %select_n3A_264 = arith.select %gt3A_261, %get3A_255, %broadcast_in_dim3A_263 : vector<1x512xi1>, vector<1x512xf32>
    %jit3A_265 = arith.constant 0x7F800000 : f32
    %broadcast_in_dim3A_266 = vector.broadcast %jit3A_265 : f32 to vector<1x512xf32>
    %select_n3A_267 = arith.select %gt3A_261, %broadcast_in_dim3A_266, %get3A_255 : vector<1x512xi1>, vector<1x512xf32>
    %iota3A_268 = tpu.iota {dimensions = array<i32: 1>} : vector<1x512xi32>
    %add3A_269 = arith.constant 1536 : i32
    %add3A_270 = vector.broadcast %add3A_269 : i32 to vector<1x512xi32>
    %add3A_271 = arith.addi %add3A_270, %iota3A_268 : vector<1x512xi32>
    %gt3A_272 = vector.broadcast %add3A_271 : vector<1x512xi32> to vector<512x512xi32>
    %gt3A_273 = vector.broadcast %iota3A : vector<512x1xi32> to vector<512x512xi32>
    %gt3A_274 = arith.cmpi sgt, %gt3A_272, %gt3A_273 : vector<512x512xi32>
    %le3A_275 = vector.broadcast %add3A_271 : vector<1x512xi32> to vector<512x512xi32>
    %le3A_276 = vector.broadcast %sub3A_26 : vector<512x1xi32> to vector<512x512xi32>
    %le3A_277 = arith.cmpi sle, %le3A_275, %le3A_276 : vector<512x512xi32>
    %and3A_278 = arith.andi %gt3A_274, %le3A_277 : vector<512x512xi1>
    %lt3A_279 = vector.broadcast %get3A_6 : vector<512x1xf32> to vector<512x512xf32>
    %lt3A_280 = vector.broadcast %get3A_255 : vector<1x512xf32> to vector<512x512xf32>
    %lt3A_281 = arith.cmpf olt, %lt3A_279, %lt3A_280 : vector<512x512xf32>
    %lt3A_282 = vector.broadcast %get3A_6 : vector<512x1xf32> to vector<512x512xf32>
    %lt3A_283 = vector.broadcast %select_n3A_267 : vector<1x512xf32> to vector<512x512xf32>
    %lt3A_284 = arith.cmpf olt, %lt3A_282, %lt3A_283 : vector<512x512xf32>
    %and3A_285 = vector.broadcast %gt3A_16 : vector<512x1xi1> to vector<512x512xi1>
    %and3A_286 = arith.andi %and3A_285, %lt3A_284 : vector<512x512xi1>
    %not3A_287 = arith.constant dense<true> : vector<512x1xi1>
    %not3A_288 = arith.xori %gt3A_16, %not3A_287 : vector<512x1xi1>
    %lt3A_289 = vector.broadcast %select_n3A_264 : vector<1x512xf32> to vector<512x512xf32>
    %lt3A_290 = vector.broadcast %get3A_6 : vector<512x1xf32> to vector<512x512xf32>
    %lt3A_291 = arith.cmpf olt, %lt3A_289, %lt3A_290 : vector<512x512xf32>
    %and3A_292 = vector.broadcast %not3A_288 : vector<512x1xi1> to vector<512x512xi1>
    %and3A_293 = arith.andi %and3A_292, %lt3A_291 : vector<512x512xi1>
    %or3A_294 = arith.ori %and3A_286, %and3A_293 : vector<512x512xi1>
    %and3A_295 = arith.andi %or3A_294, %and3A_278 : vector<512x512xi1>
    %add3A_296 = vector.broadcast %sub3A_11 : vector<512x1xf32> to vector<512x512xf32>
    %add3A_297 = vector.broadcast %get3A_252 : vector<1x512xf32> to vector<512x512xf32>
    %add3A_298 = arith.addf %add3A_296, %add3A_297 : vector<512x512xf32>
    %sub3A_299 = vector.broadcast %add3A_14 : vector<512x1xf32> to vector<512x512xf32>
    %sub3A_300 = vector.broadcast %get3A_252 : vector<1x512xf32> to vector<512x512xf32>
    %sub3A_301 = arith.subf %sub3A_299, %sub3A_300 : vector<512x512xf32>
    %select_n3A_302 = arith.select %lt3A_281, %add3A_298, %sub3A_301 : vector<512x512xi1>, vector<512x512xf32>
    %max3A_303 = arith.constant 0.000000e+00 : f32
    %max3A_304 = vector.broadcast %max3A_303 : f32 to vector<512x512xf32>
    %max3A_305 = arith.maximumf %select_n3A_302, %max3A_304 : vector<512x512xf32>
    %jit3A_306 = arith.constant 0.000000e+00 : f32
    %broadcast_in_dim3A_307 = vector.broadcast %jit3A_306 : f32 to vector<512x512xf32>
    %select_n3A_308 = arith.select %and3A_295, %max3A_305, %broadcast_in_dim3A_307 : vector<512x512xi1>, vector<512x512xf32>
    %reduce_sum3A_309 = vector.shape_cast %select_n3A_308 : vector<512x512xf32> to vector<1x512x512xf32>
    %reduce_sum3A_310 = arith.constant dense<0.000000e+00> : vector<1xf32>
    %reduce_sum3A_311 = vector.multi_reduction <add>, %reduce_sum3A_309, %reduce_sum3A_310 [1, 2] : vector<1x512x512xf32> to vector<1xf32>
    %reduce_sum3A_312 = vector.shape_cast %reduce_sum3A_311 : vector<1xf32> to vector<1x1x1xf32>
    %reduce_sum3A_313 = vector.extract %reduce_sum3A_312[0, 0, 0] : f32 from vector<1x1x1xf32>
    %add3A_314 = arith.addf %add3A_238, %reduce_sum3A_313 : f32
    %jit3A_315 = arith.constant 1.000000e+00 : f32
    %jit3A_316 = arith.constant 0.000000e+00 : f32
    %broadcast_in_dim3A_317 = vector.broadcast %jit3A_315 : f32 to vector<512x512xf32>
    %broadcast_in_dim3A_318 = vector.broadcast %jit3A_316 : f32 to vector<512x512xf32>
    %select_n3A_319 = arith.select %and3A_295, %broadcast_in_dim3A_317, %broadcast_in_dim3A_318 : vector<512x512xi1>, vector<512x512xf32>
    %reduce_sum3A_320 = vector.shape_cast %select_n3A_319 : vector<512x512xf32> to vector<1x512x512xf32>
    %reduce_sum3A_321 = arith.constant dense<0.000000e+00> : vector<1xf32>
    %reduce_sum3A_322 = vector.multi_reduction <add>, %reduce_sum3A_320, %reduce_sum3A_321 [1, 2] : vector<1x512x512xf32> to vector<1xf32>
    %reduce_sum3A_323 = vector.shape_cast %reduce_sum3A_322 : vector<1xf32> to vector<1x1x1xf32>
    %reduce_sum3A_324 = vector.extract %reduce_sum3A_323[0, 0, 0] : f32 from vector<1x1x1xf32>
    %add3A_325 = arith.addf %add3A_249, %reduce_sum3A_324 : f32
    %get3A_326 = arith.constant 0 : index
    %get3A_327 = arith.constant 0 : index
    %get3A_328 = vector.load %arg5[%get3A_326, %get3A_327] : memref<1x512xf32, #tpu.memory_space<vmem>>, vector<1x512xf32>
    %get3A_329 = arith.constant 0 : index
    %get3A_330 = arith.constant 0 : index
    %get3A_331 = vector.load %arg10[%get3A_329, %get3A_330] : memref<1x512xf32, #tpu.memory_space<vmem>>, vector<1x512xf32>
    %get3A_332 = arith.constant 0 : index
    %get3A_333 = arith.constant 0 : index
    %get3A_334 = vector.load %arg15[%get3A_332, %get3A_333] : memref<1x512xf32, #tpu.memory_space<vmem>>, vector<1x512xf32>
    %gt3A_335 = arith.constant 0.000000e+00 : f32
    %gt3A_336 = vector.broadcast %gt3A_335 : f32 to vector<1x512xf32>
    %gt3A_337 = arith.cmpf ogt, %get3A_334, %gt3A_336 : vector<1x512xf32>
    %jit3A_338 = arith.constant 0x7F800000 : f32
    %broadcast_in_dim3A_339 = vector.broadcast %jit3A_338 : f32 to vector<1x512xf32>
    %select_n3A_340 = arith.select %gt3A_337, %get3A_331, %broadcast_in_dim3A_339 : vector<1x512xi1>, vector<1x512xf32>
    %jit3A_341 = arith.constant 0x7F800000 : f32
    %broadcast_in_dim3A_342 = vector.broadcast %jit3A_341 : f32 to vector<1x512xf32>
    %select_n3A_343 = arith.select %gt3A_337, %broadcast_in_dim3A_342, %get3A_331 : vector<1x512xi1>, vector<1x512xf32>
    %iota3A_344 = tpu.iota {dimensions = array<i32: 1>} : vector<1x512xi32>
    %add3A_345 = arith.constant 2048 : i32
    %add3A_346 = vector.broadcast %add3A_345 : i32 to vector<1x512xi32>
    %add3A_347 = arith.addi %add3A_346, %iota3A_344 : vector<1x512xi32>
    %gt3A_348 = vector.broadcast %add3A_347 : vector<1x512xi32> to vector<512x512xi32>
    %gt3A_349 = vector.broadcast %iota3A : vector<512x1xi32> to vector<512x512xi32>
    %gt3A_350 = arith.cmpi sgt, %gt3A_348, %gt3A_349 : vector<512x512xi32>
    %le3A_351 = vector.broadcast %add3A_347 : vector<1x512xi32> to vector<512x512xi32>
    %le3A_352 = vector.broadcast %sub3A_26 : vector<512x1xi32> to vector<512x512xi32>
    %le3A_353 = arith.cmpi sle, %le3A_351, %le3A_352 : vector<512x512xi32>
    %and3A_354 = arith.andi %gt3A_350, %le3A_353 : vector<512x512xi1>
    %lt3A_355 = vector.broadcast %get3A_6 : vector<512x1xf32> to vector<512x512xf32>
    %lt3A_356 = vector.broadcast %get3A_331 : vector<1x512xf32> to vector<512x512xf32>
    %lt3A_357 = arith.cmpf olt, %lt3A_355, %lt3A_356 : vector<512x512xf32>
    %lt3A_358 = vector.broadcast %get3A_6 : vector<512x1xf32> to vector<512x512xf32>
    %lt3A_359 = vector.broadcast %select_n3A_343 : vector<1x512xf32> to vector<512x512xf32>
    %lt3A_360 = arith.cmpf olt, %lt3A_358, %lt3A_359 : vector<512x512xf32>
    %and3A_361 = vector.broadcast %gt3A_16 : vector<512x1xi1> to vector<512x512xi1>
    %and3A_362 = arith.andi %and3A_361, %lt3A_360 : vector<512x512xi1>
    %not3A_363 = arith.constant dense<true> : vector<512x1xi1>
    %not3A_364 = arith.xori %gt3A_16, %not3A_363 : vector<512x1xi1>
    %lt3A_365 = vector.broadcast %select_n3A_340 : vector<1x512xf32> to vector<512x512xf32>
    %lt3A_366 = vector.broadcast %get3A_6 : vector<512x1xf32> to vector<512x512xf32>
    %lt3A_367 = arith.cmpf olt, %lt3A_365, %lt3A_366 : vector<512x512xf32>
    %and3A_368 = vector.broadcast %not3A_364 : vector<512x1xi1> to vector<512x512xi1>
    %and3A_369 = arith.andi %and3A_368, %lt3A_367 : vector<512x512xi1>
    %or3A_370 = arith.ori %and3A_362, %and3A_369 : vector<512x512xi1>
    %and3A_371 = arith.andi %or3A_370, %and3A_354 : vector<512x512xi1>
    %add3A_372 = vector.broadcast %sub3A_11 : vector<512x1xf32> to vector<512x512xf32>
    %add3A_373 = vector.broadcast %get3A_328 : vector<1x512xf32> to vector<512x512xf32>
    %add3A_374 = arith.addf %add3A_372, %add3A_373 : vector<512x512xf32>
    %sub3A_375 = vector.broadcast %add3A_14 : vector<512x1xf32> to vector<512x512xf32>
    %sub3A_376 = vector.broadcast %get3A_328 : vector<1x512xf32> to vector<512x512xf32>
    %sub3A_377 = arith.subf %sub3A_375, %sub3A_376 : vector<512x512xf32>
    %select_n3A_378 = arith.select %lt3A_357, %add3A_374, %sub3A_377 : vector<512x512xi1>, vector<512x512xf32>
    %max3A_379 = arith.constant 0.000000e+00 : f32
    %max3A_380 = vector.broadcast %max3A_379 : f32 to vector<512x512xf32>
    %max3A_381 = arith.maximumf %select_n3A_378, %max3A_380 : vector<512x512xf32>
    %jit3A_382 = arith.constant 0.000000e+00 : f32
    %broadcast_in_dim3A_383 = vector.broadcast %jit3A_382 : f32 to vector<512x512xf32>
    %select_n3A_384 = arith.select %and3A_371, %max3A_381, %broadcast_in_dim3A_383 : vector<512x512xi1>, vector<512x512xf32>
    %reduce_sum3A_385 = vector.shape_cast %select_n3A_384 : vector<512x512xf32> to vector<1x512x512xf32>
    %reduce_sum3A_386 = arith.constant dense<0.000000e+00> : vector<1xf32>
    %reduce_sum3A_387 = vector.multi_reduction <add>, %reduce_sum3A_385, %reduce_sum3A_386 [1, 2] : vector<1x512x512xf32> to vector<1xf32>
    %reduce_sum3A_388 = vector.shape_cast %reduce_sum3A_387 : vector<1xf32> to vector<1x1x1xf32>
    %reduce_sum3A_389 = vector.extract %reduce_sum3A_388[0, 0, 0] : f32 from vector<1x1x1xf32>
    %add3A_390 = arith.addf %add3A_314, %reduce_sum3A_389 : f32
    %jit3A_391 = arith.constant 1.000000e+00 : f32
    %jit3A_392 = arith.constant 0.000000e+00 : f32
    %broadcast_in_dim3A_393 = vector.broadcast %jit3A_391 : f32 to vector<512x512xf32>
    %broadcast_in_dim3A_394 = vector.broadcast %jit3A_392 : f32 to vector<512x512xf32>
    %select_n3A_395 = arith.select %and3A_371, %broadcast_in_dim3A_393, %broadcast_in_dim3A_394 : vector<512x512xi1>, vector<512x512xf32>
    %reduce_sum3A_396 = vector.shape_cast %select_n3A_395 : vector<512x512xf32> to vector<1x512x512xf32>
    %reduce_sum3A_397 = arith.constant dense<0.000000e+00> : vector<1xf32>
    %reduce_sum3A_398 = vector.multi_reduction <add>, %reduce_sum3A_396, %reduce_sum3A_397 [1, 2] : vector<1x512x512xf32> to vector<1xf32>
    %reduce_sum3A_399 = vector.shape_cast %reduce_sum3A_398 : vector<1xf32> to vector<1x1x1xf32>
    %reduce_sum3A_400 = vector.extract %reduce_sum3A_399[0, 0, 0] : f32 from vector<1x1x1xf32>
    %add3A_401 = arith.addf %add3A_325, %reduce_sum3A_400 : f32
    %eq3A = arith.constant 0 : i32
    %eq3A_402 = arith.cmpi eq, %arg0, %eq3A : i32
    %convert_element_type3A = arith.extui %eq3A_402 : i1 to i32
    %cond3A = arith.constant 0 : i32
    %cond3A_403 = arith.cmpi ne, %convert_element_type3A, %cond3A : i32
    scf.if %cond3A_403 {
      %swap3A_417 = arith.constant 0.000000e+00 : f32
      %swap3A_418 = arith.constant 0 : index
      %swap3A_419 = arith.constant 0 : index
      %swap3A_420 = memref.load %arg19[%swap3A_418, %swap3A_419] : memref<1x1xf32, #tpu.memory_space<smem>>
      memref.store %swap3A_417, %arg19[%swap3A_418, %swap3A_419] : memref<1x1xf32, #tpu.memory_space<smem>>
      %swap3A_421 = arith.constant 0.000000e+00 : f32
      %swap3A_422 = arith.constant 0 : index
      %swap3A_423 = arith.constant 0 : index
      %swap3A_424 = memref.load %arg20[%swap3A_422, %swap3A_423] : memref<1x1xf32, #tpu.memory_space<smem>>
      memref.store %swap3A_421, %arg20[%swap3A_422, %swap3A_423] : memref<1x1xf32, #tpu.memory_space<smem>>
    } else {
    }
    %get3A_404 = arith.constant 0 : index
    %get3A_405 = arith.constant 0 : index
    %get3A_406 = memref.load %arg19[%get3A_404, %get3A_405] : memref<1x1xf32, #tpu.memory_space<smem>>
    %add3A_407 = arith.addf %get3A_406, %add3A_390 : f32
    %swap3A = arith.constant 0 : index
    %swap3A_408 = arith.constant 0 : index
    %swap3A_409 = memref.load %arg19[%swap3A, %swap3A_408] : memref<1x1xf32, #tpu.memory_space<smem>>
    memref.store %add3A_407, %arg19[%swap3A, %swap3A_408] : memref<1x1xf32, #tpu.memory_space<smem>>
    %get3A_410 = arith.constant 0 : index
    %get3A_411 = arith.constant 0 : index
    %get3A_412 = memref.load %arg20[%get3A_410, %get3A_411] : memref<1x1xf32, #tpu.memory_space<smem>>
    %add3A_413 = arith.addf %get3A_412, %add3A_401 : f32
    %swap3A_414 = arith.constant 0 : index
    %swap3A_415 = arith.constant 0 : index
    %swap3A_416 = memref.load %arg20[%swap3A_414, %swap3A_415] : memref<1x1xf32, #tpu.memory_space<smem>>
    memref.store %add3A_413, %arg20[%swap3A_414, %swap3A_415] : memref<1x1xf32, #tpu.memory_space<smem>>
    return
  }
  func.func @transform_0(%arg0: i32) -> (i32, i32) {
    %add3A = arith.constant 4 : i32
    %add3A_0 = arith.addi %add3A, %arg0 : i32
    %add3A_1 = arith.constant 0 : i32
    %add3A_2 = arith.addi %add3A_0, %add3A_1 : i32
    %c0_i32 = arith.constant 0 : i32
    %c0_i32_3 = arith.constant 0 : i32
    return %c0_i32, %add3A_2 : i32, i32
  }
  func.func @transform_1(%arg0: i32) -> (i32, i32) {
    %add3A = arith.constant 4 : i32
    %add3A_0 = arith.addi %add3A, %arg0 : i32
    %add3A_1 = arith.constant 1 : i32
    %add3A_2 = arith.addi %add3A_0, %add3A_1 : i32
    %c0_i32 = arith.constant 0 : i32
    %c0_i32_3 = arith.constant 0 : i32
    return %c0_i32, %add3A_2 : i32, i32
  }
  func.func @transform_2(%arg0: i32) -> (i32, i32) {
    %add3A = arith.constant 4 : i32
    %add3A_0 = arith.addi %add3A, %arg0 : i32
    %add3A_1 = arith.constant 2 : i32
    %add3A_2 = arith.addi %add3A_0, %add3A_1 : i32
    %c0_i32 = arith.constant 0 : i32
    %c0_i32_3 = arith.constant 0 : i32
    return %c0_i32, %add3A_2 : i32, i32
  }
  func.func @transform_3(%arg0: i32) -> (i32, i32) {
    %add3A = arith.constant 4 : i32
    %add3A_0 = arith.addi %add3A, %arg0 : i32
    %add3A_1 = arith.constant 3 : i32
    %add3A_2 = arith.addi %add3A_0, %add3A_1 : i32
    %c0_i32 = arith.constant 0 : i32
    %c0_i32_3 = arith.constant 0 : i32
    return %c0_i32, %add3A_2 : i32, i32
  }
  func.func @transform_4(%arg0: i32) -> (i32, i32) {
    %add3A = arith.constant 4 : i32
    %add3A_0 = arith.addi %add3A, %arg0 : i32
    %add3A_1 = arith.constant 4 : i32
    %add3A_2 = arith.addi %add3A_0, %add3A_1 : i32
    %c0_i32 = arith.constant 0 : i32
    %c0_i32_3 = arith.constant 0 : i32
    return %c0_i32, %add3A_2 : i32, i32
  }
  func.func @transform_5(%arg0: i32) -> (i32, i32) {
    %add3A = arith.constant 4 : i32
    %add3A_0 = arith.addi %add3A, %arg0 : i32
    %add3A_1 = arith.constant 0 : i32
    %add3A_2 = arith.addi %add3A_0, %add3A_1 : i32
    %c0_i32 = arith.constant 0 : i32
    %c0_i32_3 = arith.constant 0 : i32
    return %c0_i32, %add3A_2 : i32, i32
  }
  func.func @transform_6(%arg0: i32) -> (i32, i32) {
    %add3A = arith.constant 4 : i32
    %add3A_0 = arith.addi %add3A, %arg0 : i32
    %add3A_1 = arith.constant 1 : i32
    %add3A_2 = arith.addi %add3A_0, %add3A_1 : i32
    %c0_i32 = arith.constant 0 : i32
    %c0_i32_3 = arith.constant 0 : i32
    return %c0_i32, %add3A_2 : i32, i32
  }
  func.func @transform_7(%arg0: i32) -> (i32, i32) {
    %add3A = arith.constant 4 : i32
    %add3A_0 = arith.addi %add3A, %arg0 : i32
    %add3A_1 = arith.constant 2 : i32
    %add3A_2 = arith.addi %add3A_0, %add3A_1 : i32
    %c0_i32 = arith.constant 0 : i32
    %c0_i32_3 = arith.constant 0 : i32
    return %c0_i32, %add3A_2 : i32, i32
  }
  func.func @transform_8(%arg0: i32) -> (i32, i32) {
    %add3A = arith.constant 4 : i32
    %add3A_0 = arith.addi %add3A, %arg0 : i32
    %add3A_1 = arith.constant 3 : i32
    %add3A_2 = arith.addi %add3A_0, %add3A_1 : i32
    %c0_i32 = arith.constant 0 : i32
    %c0_i32_3 = arith.constant 0 : i32
    return %c0_i32, %add3A_2 : i32, i32
  }
  func.func @transform_9(%arg0: i32) -> (i32, i32) {
    %add3A = arith.constant 4 : i32
    %add3A_0 = arith.addi %add3A, %arg0 : i32
    %add3A_1 = arith.constant 4 : i32
    %add3A_2 = arith.addi %add3A_0, %add3A_1 : i32
    %c0_i32 = arith.constant 0 : i32
    %c0_i32_3 = arith.constant 0 : i32
    return %c0_i32, %add3A_2 : i32, i32
  }
  func.func @transform_10(%arg0: i32) -> (i32, i32) {
    %add3A = arith.constant 4 : i32
    %add3A_0 = arith.addi %add3A, %arg0 : i32
    %add3A_1 = arith.constant 0 : i32
    %add3A_2 = arith.addi %add3A_0, %add3A_1 : i32
    %c0_i32 = arith.constant 0 : i32
    %c0_i32_3 = arith.constant 0 : i32
    return %c0_i32, %add3A_2 : i32, i32
  }
  func.func @transform_11(%arg0: i32) -> (i32, i32) {
    %add3A = arith.constant 4 : i32
    %add3A_0 = arith.addi %add3A, %arg0 : i32
    %add3A_1 = arith.constant 1 : i32
    %add3A_2 = arith.addi %add3A_0, %add3A_1 : i32
    %c0_i32 = arith.constant 0 : i32
    %c0_i32_3 = arith.constant 0 : i32
    return %c0_i32, %add3A_2 : i32, i32
  }
  func.func @transform_12(%arg0: i32) -> (i32, i32) {
    %add3A = arith.constant 4 : i32
    %add3A_0 = arith.addi %add3A, %arg0 : i32
    %add3A_1 = arith.constant 2 : i32
    %add3A_2 = arith.addi %add3A_0, %add3A_1 : i32
    %c0_i32 = arith.constant 0 : i32
    %c0_i32_3 = arith.constant 0 : i32
    return %c0_i32, %add3A_2 : i32, i32
  }
  func.func @transform_13(%arg0: i32) -> (i32, i32) {
    %add3A = arith.constant 4 : i32
    %add3A_0 = arith.addi %add3A, %arg0 : i32
    %add3A_1 = arith.constant 3 : i32
    %add3A_2 = arith.addi %add3A_0, %add3A_1 : i32
    %c0_i32 = arith.constant 0 : i32
    %c0_i32_3 = arith.constant 0 : i32
    return %c0_i32, %add3A_2 : i32, i32
  }
  func.func @transform_14(%arg0: i32) -> (i32, i32) {
    %add3A = arith.constant 4 : i32
    %add3A_0 = arith.addi %add3A, %arg0 : i32
    %add3A_1 = arith.constant 4 : i32
    %add3A_2 = arith.addi %add3A_0, %add3A_1 : i32
    %c0_i32 = arith.constant 0 : i32
    %c0_i32_3 = arith.constant 0 : i32
    return %c0_i32, %add3A_2 : i32, i32
  }
  func.func @transform_15(%arg0: i32) -> (i32, i32) {
    %add3A = arith.constant 4 : i32
    %add3A_0 = arith.addi %add3A, %arg0 : i32
    %c0_i32 = arith.constant 0 : i32
    %c0_i32_1 = arith.constant 0 : i32
    return %add3A_0, %c0_i32 : i32, i32
  }
  func.func @transform_16(%arg0: i32) -> (i32, i32) {
    %add3A = arith.constant 4 : i32
    %add3A_0 = arith.addi %add3A, %arg0 : i32
    %c0_i32 = arith.constant 0 : i32
    %c0_i32_1 = arith.constant 0 : i32
    return %add3A_0, %c0_i32 : i32, i32
  }
  func.func @transform_17(%arg0: i32) -> (i32, i32) {
    %add3A = arith.constant 4 : i32
    %add3A_0 = arith.addi %add3A, %arg0 : i32
    %c0_i32 = arith.constant 0 : i32
    %c0_i32_1 = arith.constant 0 : i32
    return %add3A_0, %c0_i32 : i32, i32
  }
  func.func @transform_18(%arg0: i32) -> (i32, i32) {
    %c0_i32 = arith.constant 0 : i32
    %c0_i32_0 = arith.constant 0 : i32
    %c0_i32_1 = arith.constant 0 : i32
    return %c0_i32, %c0_i32_0 : i32, i32
  }
  func.func @transform_19(%arg0: i32) -> (i32, i32) {
    %c0_i32 = arith.constant 0 : i32
    %c0_i32_0 = arith.constant 0 : i32
    %c0_i32_1 = arith.constant 0 : i32
    return %c0_i32, %c0_i32_0 : i32, i32
  }
}

</mosaic_0001>

<sc_bundles>
// kernel: kernel.5.cloned.1.call-start
scs
__scs_entry_jumppad:
0x0: {  	(pc) =	sbr.rel $0x88, $3  }
0x1: {  	(tag) =	ssettag $0x0;
	lr =	simm.s32 $0x1  }
0x2: {  	[smem:$0x3F9E] =	sst lr;
	_ =	strace $0xD0000000  }
0x3: {  	_ = 	snop  }
0x4: {  	_ = 	snop  }
0x5: {  	_ = 	snop  }
0x6: {  	_ = 	snop  }
0x7: {  	_ = 	snop  }
__scs_overlays_trampoline_lowered:
0x8: {  	[smem:$0x3FAD] =	sst s0  }
0x9: {  	[smem:$0x3FAE] =	sst s1  }
0xa: {  	[smem:$0x3FAF] =	sst s2  }
0xb: {  	[smem:$0x3FB0] =	sst s3  }
0xc: {  	[smem:$0x3FB1] =	sst s4  }
0xd: {  	[smem:$0x3FB2] =	sst s5  }
0xe: {  	[smem:$0x3FB3] =	sst s6  }
0xf: {  	[smem:$0x3FB4] =	sst s7  }
0x10: {  	[smem:$0x3FB5] =	sst s8  }
0x11: {  	[smem:$0x3FB6] =	sst s9;
	s0 =	simm.s32 @!p0 $0x0  }
0x12: {  	s1 =	sld [smem:$0x3F9C];
	s0 =	simm.s32 @p0 $0x1  }
0x13: {  	[smem:$0x3FB7] =	sst s0;
	s0 =	simm.s32 @!p1 $0x0  }
0x14: {  	s2 =	sld [smem:$0x3F9B];
	s0 =	simm.s32 @p1 $0x1  }
0x15: {  	[smem:$0x3FB8] =	sst s0;
	s0 =	simm.s32 @!p2 $0x0  }
0x16: {  	s3 =	sld [smem:$0x3FDB];
	s0 =	simm.s32 @p2 $0x1  }
0x17: {  	s4 =	simm.s32 $0x1BF5;
	[smem:$0x3FBA] =	sst s0  }
0x18: {  	s0 =	sld [smem:$0x3F9D];
	_ =	swait.ge [sflag:s4], $0x0  }
0x19: {  	s7 =	sld [smem:$0x3F9E]  }
0x1a: {  	s8 =	sadd.s32 $0xFFFFE003, lr  }
0x1b: {  	s9 =	sadd.s32 $0xFFFFFEF7, lr;
	s5 =	simm.s32 $0xFFFFFFFF;
	p2 =	slt.u32 s8, $0xFFFFF086  }
0x1c: {  	p1 =	slt.u32 s9, $0xF7A;
	s5 =	simm.s32 @!p2 $0x0  }
0x1d: {  	s5 =	simm.s32 @p1 $0x1;
	p0 =	seq.s32 s7, s2  }
0x1e: {  	s7 =	smul.u32 @!p0 $0xF7A, s2;
	p2 =	seq.s32 @!p0 s5, $0x0  }
0x1f: {  	s9 =	smul.u32 $0xF7A, s1;
	s8 =	simm.s32 @!p0 $0x1BF5;
	p2 =	por !p2, p0  }
0x20: {  	[sflag:s8] =	ssyncset.s32 @!p0 $0xFFFFF086;
	s6 =	sadd.s32 @!p0 s3, s7;
	s7 =	simm.s32 @!p0 $0x108  }
0x21: {  	s3 =	sadd.s32 s3, s9;
	s6 =	sadd.s32 @!p0 $0x88, s6;
	s7 =	simm.s32 @p2 $0x1082  }
0x22: {  	[simem:s7], [sflag:s8] =	dma.local @!p0 [hbm:s6], $0xF7A  }
0x23: {  	s9 =	sor.u32 $0xD0000000, s2;
	s6 =	simm.s32 $0x108;
	_ =	swait.ge @!p0 [sflag:s8], $0x0  }
0x24: {  	s3 =	sadd.s32 $0x88, s3;
	s6 =	simm.s32 @!p1 $0x1082;
	[sflag:s4] =	ssyncset.s32 $0xFFFFF086  }
0x25: {  	[simem:s6], [sflag:s4] =	dma.local [hbm:s3], $0xF7A  }
0x26: {  	[smem:$0x3F9E] =	sst s1;
	(tag) =	ssettag s2;
	_ =	strace s9  }
0x27: {  	s1 =	sld [smem:$0x3FAE]  }
0x28: {  	s2 =	sld [smem:$0x3FAF]  }
0x29: {  	s4 =	sld [smem:$0x3FB1]  }
0x2a: {  	p0 =	seq.s32 s5, $0x0;
	s5 =	sld [smem:$0x3FB2]  }
0x2b: {  	s6 =	sld [smem:$0x3FB3]  }
0x2c: {  	s7 =	sld [smem:$0x3FB4]  }
0x2d: {  	s3 =	simm.s32 $0x108;
	s8 =	sld [smem:$0x3FB5]  }
0x2e: {  	s3 =	simm.s32 @!p0 $0x1082;
	s9 =	sld [smem:$0x3FB6]  }
0x2f: {  	lr =	sadd.s32 s0, s3;
	s0 =	sld [smem:$0x3FAD]  }
0x30: {  	s3 =	sld [smem:$0x3FB0]  }
0x31: {  	[smem:$0x3FB9] =	sst s10  }
0x32: {  	s10 =	sld [smem:$0x3FB7];
	_ =	sdelay $0x3  }
0x33: {  	p0 =	seq.s32 s10, $0x1;
	s10 =	sld [smem:$0x3FB9];
	_ =	sdelay $0x3  }
0x34: {  	[smem:$0x3FB9] =	sst s10  }
0x35: {  	s10 =	sld [smem:$0x3FB8];
	_ =	sdelay $0x3  }
0x36: {  	p1 =	seq.s32 s10, $0x1;
	s10 =	sld [smem:$0x3FB9];
	_ =	sdelay $0x3  }
0x37: {  	[smem:$0x3FB9] =	sst s10  }
0x38: {  	s10 =	sld [smem:$0x3FBA]  }
0x39: {  	_ = 	snop;
	(pc) =	sbr.ind lr, $3  }
0x3a: {  	_ = 	snop  }
0x3b: {  	_ = 	snop  }
0x3c: {  	p2 =	seq.s32 s10, $0x1;
	s10 =	sld [smem:$0x3FB9]  }
0x3d: {  	_ =	shalt  }
0x3e: {  	_ =	shalt  }
0x3f: {  	_ =	shalt  }
0x40: {  	_ =	shalt  }
0x41: {  	_ =	shalt  }
0x42: {  	_ =	shalt  }
0x43: {  	_ =	shalt  }
0x44: {  	_ =	shalt  }
0x45: {  	_ =	shalt  }
0x46: {  	_ =	shalt  }
0x47: {  	_ =	shalt  }
0x48: {  	_ =	shalt  }
0x49: {  	_ =	shalt  }
0x4a: {  	_ =	shalt  }
0x4b: {  	_ =	shalt  }
0x4c: {  	_ =	shalt  }
0x4d: {  	_ =	shalt  }
0x4e: {  	_ =	shalt  }
0x4f: {  	_ =	shalt  }
0x50: {  	_ =	shalt  }
0x51: {  	_ =	shalt  }
0x52: {  	_ =	shalt  }
0x53: {  	_ =	shalt  }
0x54: {  	_ =	shalt  }
0x55: {  	_ =	shalt  }
0x56: {  	_ =	shalt  }
0x57: {  	_ =	shalt  }
0x58: {  	_ =	shalt  }
0x59: {  	_ =	shalt  }
0x5a: {  	_ =	shalt  }
0x5b: {  	_ =	shalt  }
0x5c: {  	_ =	shalt  }
0x5d: {  	_ =	shalt  }
0x5e: {  	_ =	shalt  }
0x5f: {  	_ =	shalt  }
0x60: {  	_ =	shalt  }
0x61: {  	_ =	shalt  }
0x62: {  	_ =	shalt  }
0x63: {  	_ =	shalt  }
0x64: {  	_ =	shalt  }
0x65: {  	_ =	shalt  }
0x66: {  	_ =	shalt  }
0x67: {  	_ =	shalt  }
0x68: {  	_ =	shalt  }
0x69: {  	_ =	shalt  }
0x6a: {  	_ =	shalt  }
0x6b: {  	_ =	shalt  }
0x6c: {  	_ =	shalt  }
0x6d: {  	_ =	shalt  }
0x6e: {  	_ =	shalt  }
0x6f: {  	_ =	shalt  }
0x70: {  	_ =	shalt  }
0x71: {  	_ =	shalt  }
0x72: {  	_ =	shalt  }
0x73: {  	_ =	shalt  }
0x74: {  	_ =	shalt  }
0x75: {  	_ =	shalt  }
0x76: {  	_ =	shalt  }
0x77: {  	_ =	shalt  }
0x78: {  	_ =	shalt  }
0x79: {  	_ =	shalt  }
0x7a: {  	_ =	shalt  }
0x7b: {  	_ =	shalt  }
0x7c: {  	_ =	shalt  }
0x7d: {  	_ =	shalt  }
0x7e: {  	_ =	shalt  }
0x7f: {  	_ =	shalt  }
0x80: {  	_ =	shalt  }
0x81: {  	_ =	shalt  }
0x82: {  	_ =	shalt  }
0x83: {  	_ =	shalt  }
0x84: {  	_ =	shalt  }
0x85: {  	_ =	shalt  }
0x86: {  	_ =	shalt  }
0x87: {  	_ =	shalt  }
.Lfunc_end0:
.L_simem_size_0:
called_computation_lowered:
.L_overlay_start_0:
0x88: {  	s2 =	sld [smem:$0x3FD9]  }
0x89: {  	s3 =	sld [smem:$0x3FFE];
	_ =	sdelay $0x1  }
0x8a: {  	s1 =	srdreg.scid  }
0x8b: {  	s0 =	sand.u32 $0x1, s1  }
0x8c: {  	s17 =	sshll.u32 s0, $0xA;
	s2 =	sadd.s32 s3, s2  }
0x8d: {  	s2 =	sadd.s32 s2, s17  }
0x8e: {  	[smem:$0x3FC5] =	sst s2  }
0x8f: {  	_ = 	snop  }
0x90: {  	s2 =	sld [smem:$0x3FC9]  }
0x91: {  	s18 =	sld [smem:$0x3FC8];
	(tm) =	ssettm $0x1  }
0x92: {  	s4 =	sld [smem:$0x3FFB];
	_ =	sdelay $0x3  }
0x93: {  	_ =	strace s4  }
0x94: {  	s4 =	sld [smem:$0x3FFC];
	_ =	sdelay $0x3  }
0x95: {  	_ =	strace s4  }
0x96: {  	s4 =	sld [smem:$0x3FFD];
	_ =	sdelay $0x3  }
0x97: {  	_ =	strace s4  }
0x98: {  	_ =	strace $0x8FFFFFFF  }
0x99: {  	s19 =	sld [smem:$0x3FDB];
	_ =	sdelay $0x1  }
0x9a: {  	s5 =	simm.s32 $_scs_section_size  }
0x9b: {  	s6 =	simm.s32 $_size__tile_overlayer_lowered;
	s7 =	simm.s32 $_tile_overlayer_lowered  }
0x9c: {  	s22 =	simm.s32 $0x1BFF;
	s21 =	sshll.u32 s7, $0x1;
	s4 =	sadd.s32 s5, s19  }
0x9d: {  	s8 =	simm.s32 $0x0;
	s20 =	sshll.u32 s6, $0x1;
	s6 =	sadd.s32 s21, s4  }
0x9e: {  	[timem:s8], [sflag:s22] =	dma.local [hbm:s6], s20  }
0x9f: {  	_ =	swait.ge [sflag:s22], s20  }
0xa0: {  	s5 =	ssub.s32 $0x0, s20;
	[sflag:s22] =	ssyncset.done $0x0  }
0xa1: {  	[sflag:s22] =	ssyncadd.s32 s5;
	_ =	sdelay $0x1  }
0xa2: {  	s23 =	simm.s32 $0x1B8B  }
0xa3: {  	_ =	swait.ge [sflag:s23], $0x1  }
0xa4: {  	[sflag:s23] =	ssyncset.done $0x0  }
0xa5: {  	s25 =	simm.s32 $0x1B8E;
	s24 =	sld [smem:$0x3FFE];
	[sflag:s23] =	ssyncadd.s32 $0xFFFFFFFF  }
0xa6: {  	s26 =	simm.s32 $execute0_lowered;
	[smem:$0x3FD2] =	sst s25  }
0xa7: {  	s6 =	sshll.u32 s26, $0x1;
	_ =	strace $0x80000046;
	[dreg:$0x1] =	wrdreg $0xFFFFFFFF  }
0xa8: {  	s28 =	simm.s32 $_size_execute0_lowered;
	s4 =	sadd.s32 s4, s6;
	[dreg:$0x0] =	wrdreg $0x0  }
0xa9: {  	s6 =	sshll.u32 s28, $0x1;
	[dreg:$0x2] =	wrdreg s4  }
0xaa: {  	[dreg:$0x3] =	wrdreg s6  }
0xab: {  	[dreg:$0x4] =	wrdreg $0xC0  }
0xac: {  	_ =	task [dreg:s8], $0x5FFFF  }
0xad: {  	[dreg:$0x1] =	wrdreg $0xFFFFFFFF  }
0xae: {  	[dreg:$0x0] =	wrdreg $0x60  }
0xaf: {  	[dreg:$0x2] =	wrdreg s2  }
0xb0: {  	[dreg:$0x3] =	wrdreg s18  }
0xb1: {  	[dreg:$0x4] =	wrdreg s24  }
0xb2: {  	[dreg:$0x5] =	wrdreg $0x9  }
0xb3: {  	_ =	task.clear_ibuf [dreg:s8], $0x6FFFF;
	_ =	strace $0x90000046  }
0xb4: {  	s29 =	simm.s32 $0x9;
	_ =	strace $0x80000048  }
0xb5: {  	_ =	swait.ge [sflag:s29], $0x1  }
0xb6: {  	[sflag:s29] =	ssyncadd.s32 $0xFFFFFFFF  }
0xb7: {  	_ =	strace $0x90000048  }
0xb8: {  	_ =	sfence  }
0xb9: {  	s30 =	sld [smem:$0x0];
	_ =	sdelay $0x2  }
0xba: {  	s31 =	sshll.u32 s1, $0xD;
	s1 =	sshrl.u32 s1, $0x2  }
0xbb: {  	s3 =	sand.u32 $0x4000, s31;
	s1 =	sadd.s32 s1, s30  }
0xbc: {  	s0 =	sor.u32 s3, s0;
	s1 =	sshll.u32 s1, $0x11  }
0xbd: {  	s0 =	sor.u32 s1, s0  }
0xbe: {  	s0 =	sadd.s32 $0x8F2B, s0  }
0xbf: {  	[sflag:s0] =	ssyncadd.remote.s32 $0x1  }
0xc0: {  	_ =	sfence.sel $0xFFFF  }
0xc1: {  	[dreg:$0x0] =	wrdreg $0xFFFFFFFF;
	(pc) =	sbr.abs _section_cstart, $3  }
0xc2: {  	[dreg:$0x1] =	wrdreg $0xFFFFFFFF  }
0xc3: {  	_ =	task.clear_ibuf [dreg:s8], $0x2FFFF;
	_ =	strace $0x9FFFFFFF  }
0xc4: {  	(tm) =	ssettm $0x7FFFFFFF  }
0xc5: {  	_ =	shalt  }
tec
execute0_lowered:
.L_overlay_start_1:
0x0: {  	(tag) =	ssettag $0x1  }
0x1: {  	s1 =	rddreg [dreg:$0x0]  }
0x2: {  	s3 =	rddreg [dreg:$0x1]  }
0x3: {  	s7 =	rddreg [dreg:$0x2]  }
0x4: {  	s0 =	rddreg [dreg:$0x3]  }
0x5: {  	s5 =	srdreg.scid;
	s2 =	stileid.u32;
	s4 =	simm.s32 $0x0  }
0x6: {  	s13 =	simm.s32 $0x1;
	s14 =	simm.s32 $0x1000;
	s15 =	simm.s32 $0x2000  }
0x7: {  	s17 =	simm.s32 $0x5100;
	s18 =	simm.s32 $0x0;
	s6 =	sand.u32 $0x1, s5  }
0x8: {  	s31 =	sshll.u32 s2, $0x1;
	[smem:$0x7FF] =	sst s4;
	s12 =	sshrl.u32 s2, $0x3  }
0x9: {  	s5 =	sor.u32 s6, s31;
	s8 =	ssub.s32 $0x2, s6;
	_ =	strace $0x80000047  }
.Ltmp0:
0xa: {  	s6 =	sadd.s32 $0x1400, s7;
	s11 =	sadd.s32 $0x2B, s12;
	(pc) =	sbr.rel .LBB2_1-.Ltmp0, $4  }
0xb: {  	s9 =	sshll.u32 s5, $0x4;
	s10 =	sshrl.u32 s8, $0x1;
	s16 =	sand.u32 $0xF, s5  }
0xc: {  	s9 =	sadd.s32 s9, s7;
	s10 =	ssub.s32 s8, s10;
	p0 =	sne.s32 s16, $0x0  }
0xd: {  	v0 =	vlaneseq.u32;
	s16 =	simm.s32 $0x5080;
	s7 =	sadd.s32 $0x1600, s9;
	s8 =	sadd.s32 $0x1800, s9  }
0xe: {  	v1 =	vimm.f32 $0.0e+00;
	v2 =	vadd.s32 $0xFFFFFFFF, v0;
	s9 =	smax.u32 s10, $0x1;
	s10 =	sadd.s32 $0x55, s12;
	s12 =	sadd.s32 $0x1, s12  }
.LBB2_12:
0xf: {  	[hbm4b:s7+s4] =	stream.linear.scatter [tilespmem:s16], [sflag:$0x1], $0x80, $0x38;
	[tilespmem:$0x5180] =	vst v63  }
0x10: {  	s18 =	sadd.s32 $0x1, s18;
	_ =	swait.ge [sflag:s13], $0x80  }
0x11: {  	p1 =	sne.s32 s18, s9;
	[sflag:s13] =	ssyncset.done $0x0  }
.Ltmp1:
0x12: {  	[sflag:s13] =	ssyncadd.s32 $0xFFFFFF80;
	(pc) =	sbr.rel @!p1 .LBB2_13-.Ltmp1, $4  }
0x13: {  	[hbm4b:s8+s4] =	stream.linear.scatter [tilespmem:s17], [sflag:$0x1], $0x80, $0x38;
	[tilespmem:$0x5180] =	vst v63  }
0x14: {  	_ =	swait.ge [sflag:s13], $0x80  }
0x15: {  	[sflag:s13] =	ssyncset.done $0x0  }
0x16: {  	[sflag:s13] =	ssyncadd.s32 $0xFFFFFF80  }
.LBB2_1:
0x17: {  	[tilespmem:s4], [sflag:$0x1] =	stream.linear.gather [hbm4b:s1+s4], $0x1000, $0x38;
	[tilespmem:$0x5180] =	vst v63  }
0x18: {  	_ =	swait.ge [sflag:s13], $0x1000  }
0x19: {  	[sflag:s13] =	ssyncset.done $0x0  }
0x1a: {  	[sflag:s13] =	ssyncadd.s32 $0xFFFFF000  }
0x1b: {  	[tilespmem:s14], [sflag:$0x1] =	stream.linear.gather [hbm4b:s3+s4], $0x1000, $0x38;
	[tilespmem:$0x5180] =	vst v63  }
0x1c: {  	_ =	swait.ge [sflag:s13], $0x1000  }
0x1d: {  	[sflag:s13] =	ssyncset.done $0x0  }
0x1e: {  	[sflag:s13] =	ssyncadd.s32 $0xFFFFF000  }
0x1f: {  	[tilespmem:s15], [sflag:$0x1] =	stream.linear.gather [hbm4b:s6+s4], $0x1000, $0x38;
	[tilespmem:$0x5180] =	vst v63  }
0x20: {  	_ =	swait.ge [sflag:s13], $0x1000  }
0x21: {  	[sflag:s13] =	ssyncset.done $0x0  }
0x22: {  	s20 =	simm.s32 $0x2040;
	[sflag:s13] =	ssyncadd.s32 $0xFFFFF000  }
0x23: {  	s19 =	simm.s32 $0x1040;
	v3 =	vld [tilespmem:s20+$0x30]  }
0x24: {  	v4 =	vld [tilespmem:s19+$0x30]  }
0x25: {  	v5 =	vld [tilespmem:s20+$0xFFFFFFC0]  }
0x26: {  	v7 =	vld [tilespmem:s20+$0xFFFFFFD0]  }
0x27: {  	v8 =	vld [tilespmem:s20+$0xFFFFFFE0]  }
0x28: {  	v9 =	vld [tilespmem:s20+$0xFFFFFFF0]  }
0x29: {  	v10 =	vld [tilespmem:s20+$0x0]  }
0x2a: {  	v11 =	vld [tilespmem:s20+$0x10]  }
0x2b: {  	v12 =	vld [tilespmem:s20+$0x20]  }
0x2c: {  	v13 =	vld [tilespmem:s19+$0xFFFFFFD0]  }
0x2d: {  	v14 =	vld [tilespmem:s19+$0xFFFFFFE0]  }
0x2e: {  	v6 =	vld [tilespmem:s19+$0xFFFFFFF0];
	vm1 =	vgt.f32 v3, $0.0e+00;
	vm0 =	vgt.f32 v5, $0.0e+00  }
0x2f: {  	s20 =	simm.s32 $0x30C0;
	vm5 =	vgt.f32 v7, $0.0e+00;
	vm6 =	vgt.f32 v8, $0.0e+00;
	v3 =	vld [tilespmem:s19+$0x0];
	v5 =	vnsel vm1, $0x7F800000, v4  }
0x30: {  	s21 =	simm.s32 $0x40C0;
	vm4 =	vgt.f32 v9, $0.0e+00;
	vm3 =	vgt.f32 v10, $0.0e+00;
	[tilespmem:s20+$0x30] =	vst v5;
	v5 =	vsel vm1, $0x7F800000, v4;
	v4 =	vld [tilespmem:s19+$0x10]  }
0x31: {  	s24 =	simm.s32 $0x0;
	vm2 =	vgt.f32 v11, $0.0e+00;
	v8 =	vnsel vm5, $0x7F800000, v13;
	v9 =	vsel vm5, $0x7F800000, v13;
	[tilespmem:s21+$0x30] =	vst v5;
	v5 =	vld [tilespmem:s19+$0x20]  }
0x32: {  	s25 =	simm.s32 $0x20C0;
	s22 =	simm.s32 $0x30C0;
	s23 =	simm.s32 $0x40C0;
	v7 =	vld [tilespmem:s19+$0xFFFFFFC0];
	v10 =	vnsel vm6, $0x7F800000, v14;
	vm1 =	vgt.f32 v12, $0.0e+00;
	[tilespmem:s20+$0xFFFFFFD0] =	vst v8;
	v8 =	vsel vm6, $0x7F800000, v14  }
.LBB2_2:
0x33: {  	v11 =	vld [tilespmem:s25+$0x30];
	[tilespmem:s21+$0xFFFFFFD0] =	vst v9;
	v9 =	vnsel vm4, $0x7F800000, v6;
	v6 =	vsel vm4, $0x7F800000, v6;
	s19 =	sadd.s32 $0x80, s19  }
0x34: {  	s24 =	sadd.s32 $0x8, s24;
	v12 =	vld [tilespmem:s19+$0x30];
	[tilespmem:s20+$0xFFFFFFE0] =	vst v10;
	v10 =	vnsel vm3, $0x7F800000, v3;
	v3 =	vsel vm3, $0x7F800000, v3  }
0x35: {  	p1 =	slt.u32 s24, $0xF8;
	v13 =	vld [tilespmem:s25+$0xFFFFFFC0];
	[tilespmem:s21+$0xFFFFFFE0] =	vst v8;
	v8 =	vnsel vm2, $0x7F800000, v4;
	v4 =	vsel vm2, $0x7F800000, v4  }
0x36: {  	v14 =	vld [tilespmem:s25+$0xFFFFFFD0];
	[tilespmem:s20+$0xFFFFFFF0] =	vst v9;
	v9 =	vnsel vm1, $0x7F800000, v5;
	v15 =	vsel vm1, $0x7F800000, v5  }
0x37: {  	v5 =	vld [tilespmem:s25+$0xFFFFFFE0];
	v16 =	vnsel vm0, $0x7F800000, v7;
	v7 =	vsel vm0, $0x7F800000, v7;
	[tilespmem:s21+$0xFFFFFFF0] =	vst v6  }
0x38: {  	v6 =	vld [tilespmem:s25+$0xFFFFFFF0];
	vm1 =	vgt.f32 v11, $0.0e+00;
	[tilespmem:s20+$0xFFFFFFC0] =	vst v16  }
0x39: {  	s20 =	sadd.s32 $0x80, s20;
	v11 =	vld [tilespmem:s25+$0x0];
	v16 =	vnsel vm1, $0x7F800000, v12;
	[tilespmem:s21+$0xFFFFFFC0] =	vst v7  }
0x3a: {  	v12 =	vsel vm1, $0x7F800000, v12;
	s21 =	sadd.s32 $0x80, s21;
	vm0 =	vgt.f32 v13, $0.0e+00;
	v7 =	vld [tilespmem:s25+$0x10];
	[tilespmem:s20+$0x30] =	vst v16  }
0x3b: {  	vm5 =	vgt.f32 v14, $0.0e+00;
	v13 =	vld [tilespmem:s25+$0x20];
	[tilespmem:s21+$0x30] =	vst v12  }
0x3c: {  	v12 =	vld [tilespmem:s19+$0xFFFFFFD0];
	vm6 =	vgt.f32 v5, $0.0e+00;
	[tilespmem:s22+$0x0] =	vst v10  }
0x3d: {  	v14 =	vld [tilespmem:s19+$0xFFFFFFE0];
	vm4 =	vgt.f32 v6, $0.0e+00;
	[tilespmem:s23+$0x0] =	vst v3  }
.Ltmp2:
0x3e: {  	v6 =	vld [tilespmem:s19+$0xFFFFFFF0];
	vm3 =	vgt.f32 v11, $0.0e+00;
	[tilespmem:s22+$0x10] =	vst v8;
	(pc) =	sbr.rel @p1 .LBB2_2-.Ltmp2, $4  }
0x3f: {  	v3 =	vld [tilespmem:s19+$0x0];
	vm2 =	vgt.f32 v7, $0.0e+00;
	[tilespmem:s23+$0x10] =	vst v4  }
0x40: {  	v4 =	vld [tilespmem:s19+$0x10];
	vm1 =	vgt.f32 v13, $0.0e+00;
	[tilespmem:s22+$0x20] =	vst v9;
	s22 =	smov.u32 s20  }
0x41: {  	v8 =	vnsel vm5, $0x7F800000, v12;
	v9 =	vsel vm5, $0x7F800000, v12;
	v5 =	vld [tilespmem:s19+$0x20];
	[tilespmem:s23+$0x20] =	vst v15;
	s23 =	smov.u32 s21  }
0x42: {  	s25 =	sadd.s32 $0x80, s25;
	v7 =	vld [tilespmem:s19+$0xFFFFFFC0];
	[tilespmem:s20+$0xFFFFFFD0] =	vst v8;
	v10 =	vnsel vm6, $0x7F800000, v14;
	v8 =	vsel vm6, $0x7F800000, v14  }
0x43: {  	[tilespmem:s21+$0xFFFFFFD0] =	vst v9  }
0x44: {  	[tilespmem:s20+$0xFFFFFFE0] =	vst v10  }
0x45: {  	v57 =	vnsel vm4, $0x7F800000, v6;
	[tilespmem:s21+$0xFFFFFFE0] =	vst v8  }
0x46: {  	v58 =	vsel vm4, $0x7F800000, v6;
	[tilespmem:s20+$0xFFFFFFF0] =	vst v57  }
0x47: {  	v61 =	vnsel vm3, $0x7F800000, v3;
	[tilespmem:s21+$0xFFFFFFF0] =	vst v58  }
0x48: {  	v3 =	vsel vm3, $0x7F800000, v3;
	[tilespmem:s22+$0x0] =	vst v61  }
0x49: {  	v62 =	vnsel vm2, $0x7F800000, v4;
	[tilespmem:s23+$0x0] =	vst v3  }
0x4a: {  	v3 =	vsel vm2, $0x7F800000, v4;
	[tilespmem:s22+$0x10] =	vst v62  }
0x4b: {  	v63 =	vnsel vm1, $0x7F800000, v5;
	[tilespmem:s23+$0x10] =	vst v3  }
0x4c: {  	v59 =	vnsel vm0, $0x7F800000, v7;
	[tilespmem:s22+$0x20] =	vst v63  }
.Ltmp3:
0x4d: {  	v3 =	vsel vm1, $0x7F800000, v5;
	[tilespmem:s20+$0xFFFFFFC0] =	vst v59;
	(pc) =	sbr.rel .LBB2_4-.Ltmp3, $4  }
0x4e: {  	v60 =	vsel vm0, $0x7F800000, v7;
	[tilespmem:s23+$0x20] =	vst v3  }
0x4f: {  	[tilespmem:s21+$0xFFFFFFC0] =	vst v60  }
0x50: {  	s19 =	simm.s32 $0x0;
	[tilespmem:$0x5080] =	vst v1  }
0x51: {  	s22 =	smov.u32 s10;
	s20 =	smov.u32 s12;
	s21 =	smov.u32 s11;
	[tilespmem:$0x5100] =	vst v1  }
.LBB2_7:
0x52: {  	vm1 =	vlt.f32 v12, v3;
	v5 =	vadd.f32 v23, v5  }
0x53: {  	v6 =	vnsel vm0, $0x0, v22;
	v7 =	vmax.f32 v21, $0.0e+00;
	v8 =	vadd.f32 v20, v17  }
0x54: {  	v62 =	vadd.f32 v19, v18;
	vm2 =	vlt.f32 v11, v3;
	v11 =	vsub.f32 v4, v14  }
0x55: {  	vm15 =	vlt.f32 v13, v3;
	v4 =	vsub.f32 v4, v15;
	v6 =	vadd.f32 v6, v16  }
0x56: {  	v7 =	vnsel vm15, $0x0, v7;
	v3 =	vsel vm2, $0x3F800000, v1;
	v63 =	vsel vm1, $0x3F800000, v1  }
0x57: {  	v3 =	vadd.f32 v3, v9;
	v9 =	vmax.f32 v11, $0.0e+00;
	v7 =	vadd.f32 v7, v10  }
0x58: {  	v10 =	vsel vm15, $0x3F800000, v1;
	v11 =	vmax.f32 v4, $0.0e+00;
	v4 =	vnsel vm1, $0x0, v9  }
0x59: {  	v9 =	vnsel vm2, $0x0, v11;
	v8 =	vadd.f32 v10, v8;
	v4 =	vadd.f32 v4, v5  }
0x5a: {  	v5 =	vadd.f32 v63, v62;
	v6 =	vadd.f32 v9, v6  }
.LBB2_11:
0x5b: {  	v9 =	vld [tilespmem:$0x5080]  }
0x5c: {  	v10 =	vld [tilespmem:$0x5100];
	_ =	sdelay $0x3  }
0x5d: {  	v7 =	vadd.f32 v9, v7  }
0x5e: {  	s19 =	sadd.s32 $0x1, s19;
	v8 =	vadd.f32 v10, v8  }
0x5f: {  	p1 =	sne.s32 s19, $0x40;
	v4 =	vadd.f32 v7, v4  }
.Ltmp4:
0x60: {  	v5 =	vadd.f32 v8, v5;
	(pc) =	sbr.rel @!p1 .LBB2_12-.Ltmp4, $4  }
0x61: {  	v4 =	vadd.f32 v4, v6  }
0x62: {  	v3 =	vadd.f32 v5, v3  }
0x63: {  	[tilespmem:$0x5080] =	vst v4  }
0x64: {  	s22 =	sadd.s32 $0x2, s22;
	s21 =	sadd.s32 $0x2, s21;
	s20 =	sadd.s32 $0x2, s20;
	[tilespmem:$0x5100] =	vst v3  }
.LBB2_4:
0x65: {  	s23 =	sshll.u32 s19, $0x5  }
0x66: {  	s24 =	sor.u32 s5, s23  }
0x67: {  	p1 =	seq.s32 s24, $0x0  }
0x68: {  	p1 =	por !p0, !p1  }
0x69: {  	s23 =	simm.s32 $0x1;
	p1 =	por !p1, !p1  }
0x6a: {  	s25 =	sshrl.u32 s24, $0x4;
	s23 =	simm.s32 @!p1 $0x0  }
0x6b: {  	s25 =	ssub.s32 s25, s23  }
0x6c: {  	s25 =	sshll.u32 s25, $0x4  }
0x6d: {  	v3 =	vld [tilespmem:s25+$0x0];
	_ =	sdelay $0x1  }
0x6e: {  	s26 =	ssub.s32 s24, s25;
	v4 =	vld [tilespmem:s25+$0x1000];
	s30 =	sand.u32 $0xFF0, s25  }
0x6f: {  	v7 =	vld [tilespmem:s25+$0x2000];
	v5 =	vmov s26;
	s26 =	sxor.u32 $0x800, s30  }
0x70: {  	v6 =	vand.u32 $0xF, v5;
	v9 =	vld [tilespmem:s26+$0x0]  }
0x71: {  	s25 =	sadd.s32 $0x7F0, s25;
	v11 =	vld [tilespmem:s26+$0x1000];
	v14 =	vperm.xlane v3, v6  }
0x72: {  	s25 =	sand.u32 $0xFF0, s25;
	v12 =	vld [tilespmem:s26+$0x2000]  }
0x73: {  	v58 =	vld [tilespmem:s25+$0x1000];
	v8 =	vsub.f32 v14, v3  }
0x74: {  	v57 =	vld [tilespmem:s25+$0x0];
	vm13 =	vlt.s32 v5, v0;
	v3 =	vperm.xlane v4, v6;
	v6 =	vperm.xlane v7, v6  }
0x75: {  	vm14 =	vgt.s32 v5, v2;
	v9 =	vsub.f32 v14, v9;
	v10 =	vsub.f32 $0.0e+00, v8  }
0x76: {  	vm0 =	vlt.f32 v3, v4;
	v13 =	vmul.f32 v6, v7;
	vm1 =	vlt.f32 v4, v3  }
0x77: {  	vm12 =	vlt.f32 v3, v11;
	vm2 =	vlt.f32 v11, v3;
	v59 =	vmul.f32 v12, v6  }
0x78: {  	v15 =	vld [tilespmem:s25+$0x2000];
	vm15 =	vlt.f32 v3, v58;
	vm3 =	vlt.f32 v58, v3;
	v8 =	vsel vm0, v8, v10  }
0x79: {  	v7 =	vsel vm1, v7, v13;
	v13 =	vsub.f32 $0.0e+00, v9;
	v10 =	vsub.f32 v14, v57  }
0x7a: {  	v5 =	vld [tilespmem:$0x5100];
	v11 =	vsel vm2, v12, v59;
	v8 =	vsub.f32 $5.000000000e-01, v8;
	v7 =	vsel vm0, v6, v7  }
0x7b: {  	v11 =	vsel vm12, v6, v11;
	v9 =	vsel vm12, v9, v13;
	v12 =	vsub.f32 $0.0e+00, v10;
	v13 =	vld [tilespmem:$0x5080]  }
0x7c: {  	v63 =	vnsel vm14, $0x0, v11;
	v4 =	vmax.f32 v8, $0.0e+00;
	v9 =	vsub.f32 $5.000000000e-01, v9  }
0x7d: {  	v4 =	vmul.f32 v7, v4;
	v10 =	vsel vm15, v10, v12;
	v12 =	vmul.f32 v15, v6  }
0x7e: {  	v7 =	vnsel vm13, $0x0, v7;
	v60 =	vmax.f32 v9, $0.0e+00;
	v61 =	vsub.f32 $5.000000000e-01, v10  }
0x7f: {  	v5 =	vadd.f32 v5, v7;
	v8 =	vmul.f32 v11, v60;
	v4 =	vnsel vm13, $0x0, v4  }
0x80: {  	v62 =	vsel vm3, v15, v12;
	v9 =	vmax.f32 v61, $0.0e+00;
	v4 =	vadd.f32 v13, v4  }
0x81: {  	v6 =	vsel vm15, v6, v62;
	v5 =	vadd.f32 v5, v63;
	v8 =	vnsel vm14, $0x0, v8  }
0x82: {  	v7 =	vmul.f32 v6, v9;
	v4 =	vadd.f32 v8, v4  }
0x83: {  	v5 =	vadd.f32 v5, v6  }
0x84: {  	v4 =	vadd.f32 v7, v4  }
0x85: {  	[tilespmem:$0x5100] =	vst v5  }
0x86: {  	[tilespmem:$0x5080] =	vst v4  }
0x87: {  	v4 =	vld [tilespmem:s24+$0x2000];
	_ =	sdelay $0x4  }
0x88: {  	(v2sf) =	vpush v4, $0x0;
	_ =	sdelay $0xe  }
0x89: {  	s31 =	spop (v2sf)  }
0x8a: {  	p1 =	sgt.f32 s31, $0.0e+00  }
.Ltmp5:
0x8b: {  	_ = 	snop;
	(pc) =	sbr.rel @!p1 .LBB2_5-.Ltmp5, $2  }
0x8c: {  	_ =	sdelay $0x2  }
0x8d: {  	s24 =	ssub.s32 s22, s23;
	v4 =	vadd.f32 $5.000000000e-01, v14  }
0x8e: {  	s25 =	ssub.s32 s20, s23;
	s24 =	sand.u32 $0xFF, s24  }
0x8f: {  	s26 =	ssub.s32 s21, s23;
	s25 =	sand.u32 $0xFF, s25;
	s24 =	sshll.u32 s24, $0x4  }
0x90: {  	s23 =	sand.u32 $0xFF, s26;
	s25 =	sshll.u32 s25, $0x4;
	v7 =	vmov s24  }
0x91: {  	s23 =	sshll.u32 s23, $0x4;
	v5 =	vmov s25  }
0x92: {  	s28 =	sor.u32 $0x1000, s24;
	v6 =	vmov s23  }
0x93: {  	v9 =	vmov s28  }
0x94: {  	s26 =	sor.u32 $0x1000, s23;
	s28 =	simm.s32 $0x0  }
0x95: {  	s23 =	sadd.s32 $0x4080, s23;
	v8 =	vmov s26;
	v17 =	vld.idx.msk [tilespmem:v7+s28+$0x0 ss:$0x1], $0xffff  }
0x96: {  	s24 =	sadd.s32 $0x4080, s24;
	v10 =	vmov s23;
	v16 =	vld.idx.msk [tilespmem:v5+s28+$0x0 ss:$0x1], $0xffff  }
0x97: {  	v11 =	vmov s24;
	v15 =	vld.idx.msk [tilespmem:v6+s28+$0x0 ss:$0x1], $0xffff  }
0x98: {  	s31 =	simm.s32 $0x10;
	s29 =	sor.u32 $0x1000, s25;
	v19 =	vld.idx.msk [tilespmem:v9+s28+$0x0 ss:$0x1], $0xffff  }
0x99: {  	v12 =	vmov s29;
	v31 =	vld.idx.msk [tilespmem:v6+s31+$0x0 ss:$0x1], $0xffff  }
0x9a: {  	s30 =	sadd.s32 $0x4080, s25;
	v18 =	vld.idx.msk [tilespmem:v8+s28+$0x0 ss:$0x1], $0xffff  }
0x9b: {  	v14 =	vsub.f32 $5.000000000e-01, v14;
	v13 =	vmov s30;
	v21 =	vld.idx.msk [tilespmem:v10+s28+$0x0 ss:$0x1], $0xffff  }
0x9c: {  	v22 =	vld.idx.msk [tilespmem:v11+s28+$0x0 ss:$0x1], $0xffff  }
0x9d: {  	v20 =	vld.idx.msk [tilespmem:v5+s31+$0x0 ss:$0x1], $0xffff;
	v26 =	vadd.f32 v17, v14;
	v23 =	vadd.f32 v15, v14  }
0x9e: {  	v24 =	vld.idx.msk [tilespmem:v12+s28+$0x0 ss:$0x1], $0xffff;
	v25 =	vsub.f32 v4, v15;
	v15 =	vimm.f32 $0.0e+00;
	v29 =	vsub.f32 v4, v16  }
0x9f: {  	v30 =	vadd.f32 v16, v14;
	v16 =	vsub.f32 v4, v17;
	vm0 =	vlt.f32 v3, v18  }
0xa0: {  	v34 =	vld.idx.msk [tilespmem:v13+s28+$0x0 ss:$0x1], $0xffff;
	v32 =	vsub.f32 v4, v31;
	vm1 =	vlt.f32 v3, v21;
	v17 =	vsel vm0, v23, v25  }
0xa1: {  	v27 =	vld.idx.msk [tilespmem:v8+s31+$0x0 ss:$0x1], $0xffff;
	vm0 =	vlt.f32 v3, v19;
	v18 =	vsel vm1, $0x3F800000, v1;
	v25 =	vimm.f32 $0.0e+00  }
0xa2: {  	v23 =	vld.idx.msk [tilespmem:v7+s31+$0x0 ss:$0x1], $0xffff;
	v17 =	vmax.f32 v17, $0.0e+00;
	v16 =	vsel vm0, v26, v16;
	vm0 =	vlt.f32 v3, v22  }
0xa3: {  	v22 =	vld.idx.msk [tilespmem:v12+s31+$0x0 ss:$0x1], $0xffff;
	v17 =	vnsel vm1, $0x0, v17;
	vm1 =	vlt.f32 v3, v24;
	v24 =	vsub.f32 v4, v20  }
0xa4: {  	v28 =	vld.idx.msk [tilespmem:v10+s31+$0x0 ss:$0x1], $0xffff;
	v19 =	vmax.f32 v16, $0.0e+00;
	v16 =	vadd.f32 v17, v15;
	v17 =	vadd.f32 v18, v15  }
0xa5: {  	v26 =	vld.idx.msk [tilespmem:v9+s31+$0x0 ss:$0x1], $0xffff;
	v18 =	vnsel vm0, $0x0, v19;
	v19 =	vsel vm0, $0x3F800000, v1;
	v21 =	vsel vm1, v30, v29  }
0xa6: {  	v30 =	vadd.f32 v31, v14;
	v29 =	vld.idx.msk [tilespmem:v11+s31+$0x0 ss:$0x1], $0xffff;
	vm0 =	vlt.f32 v3, v34;
	v18 =	vadd.f32 v18, v15  }
0xa7: {  	s23 =	simm.s32 $0x80;
	v19 =	vadd.f32 v19, v15;
	v33 =	vmax.f32 v21, $0.0e+00;
	v21 =	vld.idx.msk [tilespmem:v13+s31+$0x0 ss:$0x1], $0xffff;
	v31 =	vadd.f32 v23, v14  }
.LBB2_9:
0xa8: {  	s24 =	sshra.s32 s23, $0x2;
	p1 =	seq.s32 s23, $0xA40;
	s23 =	sadd.s32 $0x40, s23;
	v34 =	vadd.f32 v20, v14;
	v33 =	vnsel vm0, $0x0, v33;
	v35 =	vsel vm0, $0x3F800000, v1;
	v36 =	vmovc v22  }
0xa9: {  	vm0 =	vlt.f32 v3, v27;
	v22 =	vsub.f32 v4, v23;
	v20 =	vld.idx.msk [tilespmem:v5+s24+$0x0 ss:$0x1], $0xffff;
	v15 =	vadd.f32 v35, v15  }
0xaa: {  	v27 =	vsel vm0, v30, v32;
	vm0 =	vlt.f32 v3, v26;
	v25 =	vadd.f32 v33, v25;
	v35 =	vld.idx.msk [tilespmem:v6+s24+$0x0 ss:$0x1], $0xffff  }
0xab: {  	vm1 =	vlt.f32 v3, v28;
	v26 =	vmax.f32 v27, $0.0e+00;
	v28 =	vsel vm0, v31, v22;
	v23 =	vld.idx.msk [tilespmem:v7+s24+$0x0 ss:$0x1], $0xffff  }
0xac: {  	vm0 =	vlt.f32 v3, v29;
	v26 =	vnsel vm1, $0x0, v26;
	v29 =	vsel vm1, $0x3F800000, v1;
	v22 =	vld.idx.msk [tilespmem:v12+s24+$0x0 ss:$0x1], $0xffff  }
.Ltmp6:
0xad: {  	v28 =	vmax.f32 v28, $0.0e+00;
	v16 =	vadd.f32 v26, v16;
	v17 =	vadd.f32 v29, v17;
	v27 =	vld.idx.msk [tilespmem:v8+s24+$0x0 ss:$0x1], $0xffff;
	(pc) =	sbr.rel @!p1 .LBB2_9-.Ltmp6, $4  }
0xae: {  	vm1 =	vlt.f32 v3, v36;
	v29 =	vnsel vm0, $0x0, v28;
	v30 =	vsel vm0, $0x3F800000, v1;
	v26 =	vld.idx.msk [tilespmem:v9+s24+$0x0 ss:$0x1], $0xffff  }
0xaf: {  	v24 =	vsel vm1, v34, v24;
	v18 =	vadd.f32 v29, v18;
	v19 =	vadd.f32 v30, v19;
	v28 =	vld.idx.msk [tilespmem:v10+s24+$0x0 ss:$0x1], $0xffff  }
0xb0: {  	v33 =	vmax.f32 v24, $0.0e+00;
	v30 =	vadd.f32 v35, v14;
	v32 =	vsub.f32 v4, v35;
	v29 =	vld.idx.msk [tilespmem:v11+s24+$0x0 ss:$0x1], $0xffff  }
0xb1: {  	vm0 =	vlt.f32 v3, v21;
	v24 =	vsub.f32 v4, v20;
	v31 =	vadd.f32 v23, v14;
	v21 =	vld.idx.msk [tilespmem:v13+s24+$0x0 ss:$0x1], $0xffff  }
0xb2: {  	v6 =	vadd.f32 v20, v14  }
0xb3: {  	v5 =	vnsel vm0, $0x0, v33;
	v7 =	vsel vm0, $0x3F800000, v1;
	vm11 =	vlt.f32 v3, v27  }
0xb4: {  	v4 =	vsub.f32 v4, v23;
	vm14 =	vlt.f32 v3, v22;
	v7 =	vadd.f32 v7, v15  }
0xb5: {  	v8 =	vsel vm11, v30, v32;
	vm12 =	vlt.f32 v3, v26;
	v9 =	vadd.f32 v5, v25  }
0xb6: {  	vm1 =	vlt.f32 v3, v28;
	v5 =	vmax.f32 v8, $0.0e+00;
	v4 =	vsel vm12, v31, v4  }
0xb7: {  	v11 =	vsel vm14, v6, v24;
	vm13 =	vlt.f32 v3, v29;
	v5 =	vnsel vm1, $0x0, v5  }
.Ltmp7:
0xb8: {  	v8 =	vsel vm1, $0x3F800000, v1;
	v10 =	vmax.f32 v4, $0.0e+00;
	v4 =	vadd.f32 v5, v16;
	(pc) =	sbr.rel .LBB2_11-.Ltmp7, $4  }
0xb9: {  	v5 =	vadd.f32 v8, v17;
	v8 =	vnsel vm13, $0x0, v10;
	v10 =	vsel vm13, $0x3F800000, v1  }
0xba: {  	vm15 =	vlt.f32 v3, v21;
	v6 =	vadd.f32 v8, v18;
	v8 =	vmax.f32 v11, $0.0e+00  }
0xbb: {  	v3 =	vadd.f32 v10, v19;
	v10 =	vnsel vm15, $0x0, v8;
	v8 =	vsel vm15, $0x3F800000, v1  }
0xbc: {  	v8 =	vadd.f32 v8, v7;
	v7 =	vadd.f32 v10, v9  }
.LBB2_5:
0xbd: {  	s24 =	sand.u32 $0xFF, s24  }
0xbe: {  	s28 =	ssub.s32 s20, s23;
	s24 =	sshll.u32 s24, $0x6  }
0xbf: {  	s25 =	ssub.s32 s21, s23;
	s23 =	sand.u32 $0xFF, s28;
	s28 =	sshrl.u32 s24, $0x2  }
0xc0: {  	s25 =	sand.u32 $0xFF, s25;
	s23 =	sshll.u32 s23, $0x6;
	v8 =	vmov s28  }
0xc1: {  	s25 =	sshll.u32 s25, $0x6;
	s26 =	sshrl.u32 s23, $0x2  }
0xc2: {  	s25 =	sshrl.u32 s25, $0x2;
	v6 =	vmov s26  }
0xc3: {  	v7 =	vmov s25  }
0xc4: {  	s29 =	simm.s32 $0x3080  }
0xc5: {  	s30 =	simm.s32 $0x0;
	v11 =	vld.idx.msk [tilespmem:v8+s29+$0x0 ss:$0x1], $0xffff  }
0xc6: {  	v14 =	vld.idx.msk [tilespmem:v8+s30+$0x0 ss:$0x1], $0xffff  }
0xc7: {  	v9 =	vld.idx.msk [tilespmem:v6+s30+$0x0 ss:$0x1], $0xffff  }
0xc8: {  	v10 =	vld.idx.msk [tilespmem:v7+s29+$0x0 ss:$0x1], $0xffff  }
0xc9: {  	v12 =	vld.idx.msk [tilespmem:v6+s29+$0x0 ss:$0x1], $0xffff  }
0xca: {  	s31 =	simm.s32 $0x10;
	v13 =	vld.idx.msk [tilespmem:v7+s30+$0x0 ss:$0x1], $0xffff  }
0xcb: {  	v15 =	vld.idx.msk [tilespmem:v6+s31+$0x0 ss:$0x1], $0xffff;
	_ =	sdelay $0x2  }
0xcc: {  	v5 =	vimm.f32 $0.0e+00;
	vm0 =	vlt.f32 v11, v3;
	v17 =	vsub.f32 v4, v14  }
0xcd: {  	s23 =	simm.s32 $0x3090;
	v9 =	vsub.f32 v4, v9;
	vm1 =	vlt.f32 v10, v3;
	vm2 =	vlt.f32 v12, v3  }
0xce: {  	v12 =	vld.idx.msk [tilespmem:v7+s23+$0x0 ss:$0x1], $0xffff;
	v10 =	vsub.f32 v4, v13;
	v21 =	vsub.f32 v4, v15;
	v19 =	vsel vm1, $0x3F800000, v1  }
0xcf: {  	v11 =	vld.idx.msk [tilespmem:v8+s23+$0x0 ss:$0x1], $0xffff;
	v20 =	vsel vm2, $0x3F800000, v1;
	v22 =	vmax.f32 v17, $0.0e+00;
	v9 =	vmax.f32 v9, $0.0e+00  }
0xd0: {  	v13 =	vld.idx.msk [tilespmem:v6+s23+$0x0 ss:$0x1], $0xffff;
	v17 =	vimm.f32 $0.0e+00;
	v18 =	vmax.f32 v10, $0.0e+00;
	v16 =	vnsel vm2, $0x0, v9  }
0xd1: {  	v14 =	vld.idx.msk [tilespmem:v7+s31+$0x0 ss:$0x1], $0xffff;
	v9 =	vsel vm0, $0x3F800000, v1;
	v23 =	vnsel vm1, $0x0, v18;
	v18 =	vimm.f32 $0.0e+00  }
0xd2: {  	s24 =	simm.s32 $0x28;
	s25 =	simm.s32 $0x20;
	v15 =	vld.idx.msk [tilespmem:v8+s31+$0x0 ss:$0x1], $0xffff;
	v9 =	vadd.f32 v9, v5;
	v10 =	vadd.f32 v16, v5;
	v16 =	vimm.f32 $0.0e+00  }
.LBB2_6:
0xd3: {  	v24 =	vld.idx.msk [tilespmem:v6+s25+$0x0 ss:$0x1], $0xffff;
	p1 =	sne.s32 s24, $0x1;
	s24 =	sadd.s32 $0xFFFFFFFF, s24;
	vm1 =	vlt.f32 v12, v3;
	s23 =	sadd.s32 $0x10, s23;
	v5 =	vadd.f32 v23, v5;
	v22 =	vnsel vm0, $0x0, v22  }
0xd4: {  	v21 =	vmax.f32 v21, $0.0e+00;
	v17 =	vadd.f32 v20, v17;
	v18 =	vadd.f32 v19, v18;
	v12 =	vld.idx.msk [tilespmem:v7+s23+$0x0 ss:$0x1], $0xffff  }
.Ltmp8:
0xd5: {  	vm2 =	vlt.f32 v13, v3;
	vm0 =	vlt.f32 v11, v3;
	v16 =	vadd.f32 v22, v16;
	v11 =	vld.idx.msk [tilespmem:v8+s23+$0x0 ss:$0x1], $0xffff;
	(pc) =	sbr.rel @p1 .LBB2_6-.Ltmp8, $4  }
0xd6: {  	v20 =	vsub.f32 v4, v14;
	v21 =	vnsel vm2, $0x0, v21;
	v22 =	vsel vm0, $0x3F800000, v1;
	v13 =	vld.idx.msk [tilespmem:v6+s23+$0x0 ss:$0x1], $0xffff  }
0xd7: {  	v23 =	vsub.f32 v4, v15;
	v19 =	vsel vm1, $0x3F800000, v1;
	v9 =	vadd.f32 v22, v9;
	v14 =	vld.idx.msk [tilespmem:v7+s25+$0x0 ss:$0x1], $0xffff  }
0xd8: {  	v25 =	vmax.f32 v20, $0.0e+00;
	v10 =	vadd.f32 v21, v10;
	v20 =	vsel vm2, $0x3F800000, v1;
	v15 =	vld.idx.msk [tilespmem:v8+s25+$0x0 ss:$0x1], $0xffff  }
0xd9: {  	v22 =	vmax.f32 v23, $0.0e+00;
	v23 =	vnsel vm1, $0x0, v25;
	v21 =	vsub.f32 v4, v24;
	s25 =	sadd.s32 $0x10, s25  }
.Ltmp9:
0xda: {  	_ = 	snop;
	(pc) =	sbr.rel .LBB2_7-.Ltmp9, $1  }
0xdb: {  	_ =	sdelay $0x3  }
.LBB2_13:
0xdc: {  	_ =	sfence.sel $0x180000  }
0xdd: {  	[bflag:$0x0] =	sbarrier.arrive $0xFFFF  }
0xde: {  	p0 =	sne.s32 s2, $0x0;
	_ =	strace $0x90000047  }
0xdf: {  	s0 =	sadd.s32 @!p0 $0x100000, s0;
	[bflag:$0x2] =	sbarrier.arrive $0xFFFF  }
0xe0: {  	[sflag:s0] =	ssyncadd.tile.s32 @!p0 $0x1;
	_ =	shalt  }
.Lfunc_end2:
_tile_overlayer_lowered:
.L_overlay_start_2:
0xe1: {  	(tag) =	ssettag $0x2  }
0xe2: {  	s0 =	rddreg [dreg:$0x0];
	s2 =	stileid.u32  }
0xe3: {  	s1 =	rddreg [dreg:$0x1];
	p0 =	sne.s32 s2, $0x0  }
0xe4: {  	s3 =	rddreg [dreg:$0x2];
	[bflag:$0x3] =	sbarrier.arrive $0xFFFF;
	s2 =	simm.s32 @!p0 $0x1C01  }
0xe5: {  	[timem:s3], [sflag:s2] =	dma.local @!p0 [hbm:s0], s1  }
0xe6: {  	s0 =	simm.s32 @!p0 $0x1  }
0xe7: {  	_ =	swait.ge @!p0 [sflag:s0], s1  }
0xe8: {  	s1 =	ssub.s32 @!p0 $0x0, s1;
	[sflag:s0] =	ssyncset.done @!p0 $0x0  }
0xe9: {  	[sflag:s0] =	ssyncadd.s32 @!p0 s1  }
0xea: {  	[bflag:$0x3] =	sbarrier.arrive $0xFFFF  }
0xeb: {  	_ =	shalt  }

</sc_bundles>
